<compile_context>
chip_gen: v7x
topology: tpu7x:2x2x1
jax: 0.10.2.dev20260603
libtpu: 0.0.44.dev20260713+nightly
codegen_flags: <defaults>
</compile_context>

<pallas_src>
import jax
import jax.numpy as jnp
from jax import lax
from jax.experimental import pallas as pl
from jax.experimental.pallas import tpu as pltpu
from jax.experimental.pallas import tpu_sc as plsc

N_NODES = 10000
N_EDGES = 320000
D_IN = 128
D_HID = 16
D_OUT = 128

NC = 2
NS = 16
NW = NC * NS
CHUNK = 2048
NCH = -(-N_EDGES // (NW * CHUNK))
E_PAD = NW * NCH * CHUNK
NPAD = 10240
ROWS_PER_TILE = NPAD // NS
TBL_PER_TILE = N_NODES // NS



def _mm1_body(x_ref, w_ref, o_ref):
    o_ref[...] = jnp.dot(x_ref[...], w_ref[...],
                         preferred_element_type=jnp.float32)


def _combine_relu_body(p_ref, b_ref, o_ref):
    o_ref[...] = jnp.maximum(p_ref[0] + p_ref[1] + b_ref[...], 0.0)


def _mm2_body(p_ref, w_ref, b_ref, o_ref):
    acc = p_ref[0] + p_ref[1]
    o_ref[...] = jnp.dot(acc, w_ref[...],
                         preferred_element_type=jnp.float32) + b_ref[...]


_BM = 1000


def _mm1(x, w1):
    return pl.pallas_call(
        _mm1_body,
        grid=(N_NODES // _BM,),
        in_specs=[
            pl.BlockSpec((_BM, D_IN), lambda i: (i, 0)),
            pl.BlockSpec((D_IN, D_HID), lambda i: (0, 0)),
        ],
        out_specs=pl.BlockSpec((_BM, D_HID), lambda i: (i, 0)),
        out_shape=jax.ShapeDtypeStruct((N_NODES, D_HID), jnp.float32),
    )(x, w1)


def _combine_relu(p, b1):
    return pl.pallas_call(
        _combine_relu_body,
        grid=(N_NODES // _BM,),
        in_specs=[
            pl.BlockSpec((2, _BM, D_HID), lambda i: (0, i, 0)),
            pl.BlockSpec((1, D_HID), lambda i: (0, 0)),
        ],
        out_specs=pl.BlockSpec((_BM, D_HID), lambda i: (i, 0)),
        out_shape=jax.ShapeDtypeStruct((N_NODES, D_HID), jnp.float32),
    )(p, b1)


def _mm2(p, w2, b2):
    return pl.pallas_call(
        _mm2_body,
        grid=(N_NODES // _BM,),
        in_specs=[
            pl.BlockSpec((2, _BM, D_HID), lambda i: (0, i, 0)),
            pl.BlockSpec((D_HID, D_OUT), lambda i: (0, 0)),
            pl.BlockSpec((1, D_OUT), lambda i: (0, 0)),
        ],
        out_specs=pl.BlockSpec((_BM, D_OUT), lambda i: (i, 0)),
        out_shape=jax.ShapeDtypeStruct((N_NODES, D_OUT), jnp.float32),
    )(p, w2, b2)



def _sc_agg_body(t_hbm, src_hbm, dst_hbm, zero_hbm, out_hbm,
                 src_v, dst_v, rows0_v, tbl_sh, acc_sh, sem):
    c = lax.axis_index("c")
    s = lax.axis_index("s")
    gwid = c * NS + s

    pltpu.sync_copy(t_hbm.at[pl.ds(s * TBL_PER_TILE, TBL_PER_TILE)],
                    tbl_sh.at[pl.ds(s * TBL_PER_TILE, TBL_PER_TILE)])
    pltpu.sync_copy(zero_hbm.at[pl.ds(s * ROWS_PER_TILE, ROWS_PER_TILE)],
                    acc_sh.at[pl.ds(s * ROWS_PER_TILE, ROWS_PER_TILE)])
    plsc.subcore_barrier()

    pltpu.sync_copy(src_hbm.at[gwid], src_v)
    pltpu.sync_copy(dst_hbm.at[gwid], dst_v)

    def body(j, carry):
        pltpu.async_copy(tbl_sh.at[src_v.at[j]], rows0_v, sem).wait()
        pltpu.sync_copy(rows0_v, acc_sh.at[dst_v.at[j]], add=True)
        return carry

    lax.fori_loop(0, NCH, body, 0)

    plsc.subcore_barrier()
    pltpu.sync_copy(acc_sh.at[pl.ds(s * ROWS_PER_TILE, ROWS_PER_TILE)],
                    out_hbm.at[c, pl.ds(s * ROWS_PER_TILE, ROWS_PER_TILE)])


def _sc_combine_agg_body(p_hbm, b_hbm, src_hbm, dst_hbm, zero_hbm, out_hbm,
                         src_v, dst_v, rows_v, pa_v, pb_v, bias_v,
                         tbl_sh, acc_sh, sem):
    c = lax.axis_index("c")
    s = lax.axis_index("s")
    gwid = c * NS + s
    stripe = pl.ds(s * ROWS_PER_TILE, ROWS_PER_TILE)

    pltpu.sync_copy(p_hbm.at[0, stripe], pa_v)
    pltpu.sync_copy(p_hbm.at[1, stripe], pb_v)
    pltpu.sync_copy(b_hbm, bias_v)
    pltpu.sync_copy(zero_hbm.at[stripe], acc_sh.at[stripe])
    bias = bias_v[...]

    @pl.loop(0, ROWS_PER_TILE, unroll=8)
    def crow(i):
        pa_v[i, :] = jnp.maximum(pa_v[i, :] + pb_v[i, :] + bias, 0.0)
    pltpu.sync_copy(pa_v, tbl_sh.at[stripe])
    plsc.subcore_barrier()

    pltpu.sync_copy(src_hbm.at[gwid], src_v)
    pltpu.sync_copy(dst_hbm.at[gwid], dst_v)

    def body(j, carry):
        pltpu.async_copy(tbl_sh.at[src_v.at[j]], rows_v, sem).wait()
        pltpu.sync_copy(rows_v, acc_sh.at[dst_v.at[j]], add=True)
        return carry

    lax.fori_loop(0, NCH, body, 0)

    plsc.subcore_barrier()
    pltpu.sync_copy(acc_sh.at[stripe], out_hbm.at[c, stripe])


def _sc_combine_agg(p1, b1, src_r, dst_r, zeros):
    mesh = plsc.VectorSubcoreMesh(core_axis_name="c", subcore_axis_name="s")
    fn = pl.kernel(
        _sc_combine_agg_body,
        out_type=jax.ShapeDtypeStruct((NC, NPAD, D_HID), jnp.float32),
        mesh=mesh,
        scratch_types=[
            pltpu.VMEM((NCH, CHUNK), jnp.int32),
            pltpu.VMEM((NCH, CHUNK), jnp.int32),
            pltpu.VMEM((CHUNK, D_HID), jnp.float32),
            pltpu.VMEM((ROWS_PER_TILE, D_HID), jnp.float32),
            pltpu.VMEM((ROWS_PER_TILE, D_HID), jnp.float32),
            pltpu.VMEM((D_HID,), jnp.float32),
            pltpu.VMEM_SHARED((NPAD, D_HID), jnp.float32),
            pltpu.VMEM_SHARED((NPAD, D_HID), jnp.float32),
            pltpu.SemaphoreType.DMA,
        ],
        compiler_params=pltpu.CompilerParams(use_tc_tiling_on_sc=False),
    )
    return fn(p1, b1, src_r, dst_r, zeros)


def _sc_agg(table, src_r, dst_r, zeros):
    mesh = plsc.VectorSubcoreMesh(core_axis_name="c", subcore_axis_name="s")
    fn = pl.kernel(
        _sc_agg_body,
        out_type=jax.ShapeDtypeStruct((NC, NPAD, D_HID), jnp.float32),
        mesh=mesh,
        scratch_types=[
            pltpu.VMEM((NCH, CHUNK), jnp.int32),
            pltpu.VMEM((NCH, CHUNK), jnp.int32),
            pltpu.VMEM((CHUNK, D_HID), jnp.float32),
            pltpu.VMEM_SHARED((N_NODES, D_HID), jnp.float32),
            pltpu.VMEM_SHARED((NPAD, D_HID), jnp.float32),
            pltpu.SemaphoreType.DMA,
        ],
        compiler_params=pltpu.CompilerParams(use_tc_tiling_on_sc=False),
    )
    return fn(table, src_r, dst_r, zeros)



def kernel(x, edge_index, W1, b1, W2, b2):
    ei = edge_index.astype(jnp.int32)
    pad = E_PAD - N_EDGES
    src = jnp.concatenate([ei[0], jnp.zeros((pad,), jnp.int32)])
    dst = jnp.concatenate([ei[1], jnp.full((pad,), N_NODES, jnp.int32)])
    src_r = src.reshape(NW, NCH, CHUNK)
    dst_r = dst.reshape(NW, NCH, CHUNK)
    zeros = jnp.zeros((NPAD, D_HID), jnp.float32)

    t1 = _mm1(x, W1)
    p1 = _sc_agg(t1, src_r, dst_r, zeros)
    p2 = _sc_combine_agg(p1, b1, src_r, dst_r, zeros)
    return _mm2(p2, W2, b2.reshape(1, D_OUT))

# --- scband reference (transcript-rebuilt; emitter-appended) ---
"""Pipeline reference for scband-gcn-43628277793358 (READ-ONLY COPY).

The authoritative reference and input builder live on the scoring server;
editing this copy changes nothing except your own understanding.
"""

import jax, jax.numpy as jnp
import numpy as np

N_NODES = 10000
N_EDGES = 320000
D_IN = 128
D_HID = 16
D_OUT = 128


def setup_inputs(seed: int = 0) -> dict:
    key = jax.random.key(seed)
    k_x, k_ei, k_w1, k_b1, k_w2, k_b2 = jax.random.split(key, 6)
    x = jax.random.normal(k_x, (N_NODES, D_IN), dtype=jnp.float32)
    edge_index = jax.random.randint(k_ei, (2, N_EDGES), 0, N_NODES, dtype=jnp.int64)
    # GCNConv layer 1: in_features=128 -> hid=16 (glorot init, bias zeros like PyG)
    lim1 = float(np.sqrt(6.0 / (D_IN + D_HID)))
    W1 = jax.random.uniform(k_w1, (D_IN, D_HID), dtype=jnp.float32, minval=-lim1, maxval=lim1)
    b1 = jnp.zeros((D_HID,), dtype=jnp.float32)
    # GCNConv layer 2: hid=16 -> out_features=128
    lim2 = float(np.sqrt(6.0 / (D_HID + D_OUT)))
    W2 = jax.random.uniform(k_w2, (D_HID, D_OUT), dtype=jnp.float32, minval=-lim2, maxval=lim2)
    b2 = jnp.zeros((D_OUT,), dtype=jnp.float32)
    return {"x": x, "edge_index": edge_index, "W1": W1, "b1": b1, "W2": W2, "b2": b2}


def _gcn_conv(x, W, b, edge_index):
    # GCNConv(normalize=False, cached=True): linear transform, then sum-aggregate
    # messages from source nodes to destination nodes (edge_weight=None -> weight 1).
    h = x @ W
    src = edge_index[0]
    dst = edge_index[1]
    msgs = jnp.take(h, src, axis=0)
    out = jax.ops.segment_sum(msgs, dst, num_segments=x.shape[0])
    return out + b


def reference(x, edge_index, W1, b1, W2, b2):
    # Dropout layers are identity in eval mode (deterministic reference).
    h = _gcn_conv(x, W1, b1, edge_index)
    h = jax.nn.relu(h)
    out = _gcn_conv(h, W2, b2, edge_index)
    return out

if __name__ == "__main__":
    import jax
    _d = setup_inputs()
    print(jax.jit(kernel)(*tuple(_d.values())))

</pallas_src>

<mosaic_0001>
#map = affine_map<(d0, d1) -> (0, 0, 0)>
#map1 = affine_map<(d0, d1) -> (0)>
#map2 = affine_map<(d0, d1) -> (0, 0)>
module attributes {stable_mosaic.version = 14 : i64} {
  func.func @_sc_combine_agg_body(%arg0: i32, %arg1: i32, %arg2: memref<2x10240x16xf32, #tpu.memory_space<hbm>>, %arg3: memref<16xf32, #tpu.memory_space<hbm>>, %arg4: memref<32x5x2048xi32, #tpu.memory_space<hbm>>, %arg5: memref<32x5x2048xi32, #tpu.memory_space<hbm>>, %arg6: memref<10240x16xf32, #tpu.memory_space<hbm>>, %arg7: memref<2x10240x16xf32, #tpu.memory_space<hbm>>, %arg8: memref<5x2048xi32, #tpu.memory_space<vmem>>, %arg9: memref<5x2048xi32, #tpu.memory_space<vmem>>, %arg10: memref<2048x16xf32, #tpu.memory_space<vmem>>, %arg11: memref<640x16xf32, #tpu.memory_space<vmem>>, %arg12: memref<640x16xf32, #tpu.memory_space<vmem>>, %arg13: memref<16xf32, #tpu.memory_space<vmem>>, %arg14: memref<10240x16xf32, #tpu.memory_space<vmem_shared>>, %arg15: memref<10240x16xf32, #tpu.memory_space<vmem_shared>>, %arg16: memref<!tpu.dma_semaphore, #tpu.memory_space<semaphore_mem>>) attributes {dimension_semantics = [#tpu.dimension_semantics<core_parallel>, #tpu.dimension_semantics<subcore_parallel>], iteration_bounds = array<i64: 2, 16>, scalar_prefetch = 0 : i64, scratch_operands = 9 : i64, tpu.core_type = #tpu.core_type<sc_vector_subcore>, window_params = [{transform_indices = #map}, {transform_indices = #map1}, {transform_indices = #map}, {transform_indices = #map}, {transform_indices = #map2}, {transform_indices = #map}]} {
    %mul3A = arith.constant 16 : i32
    %mul3A_0 = arith.muli %arg0, %mul3A : i32
    %add3A = arith.addi %mul3A_0, %arg1 : i32
    %mul3A_1 = arith.constant 640 : i32
    %mul3A_2 = arith.muli %arg1, %mul3A_1 : i32
    %run_scoped3A = arith.constant 0 : i32
    "tpu.region"() ({
      %run_scoped3A_17 = tpu.sem_alloc : memref<!tpu.dma_semaphore, #tpu.memory_space<semaphore_mem>>
      %dma_start3A = arith.constant 0 : i32
      %dma_start3A_18 = tpu.memref_slice %arg2[%run_scoped3A, %mul3A_2, %dma_start3A] : memref<2x10240x16xf32, #tpu.memory_space<hbm>> -> memref<1x640x16xf32, #tpu.memory_space<hbm>>
      %dma_start3A_19 = tpu.memref_squeeze %dma_start3A_18 : memref<1x640x16xf32, #tpu.memory_space<hbm>> -> memref<640x16xf32, #tpu.memory_space<hbm>>
      %dma_start3A_20 = arith.constant 0 : i32
      %dma_start3A_21 = tpu.memref_slice %arg2[%run_scoped3A, %mul3A_2, %dma_start3A_20] : memref<2x10240x16xf32, #tpu.memory_space<hbm>> -> memref<1x640x16xf32, #tpu.memory_space<hbm>>
      %dma_start3A_22 = tpu.memref_squeeze %dma_start3A_21 : memref<1x640x16xf32, #tpu.memory_space<hbm>> -> memref<640x16xf32, #tpu.memory_space<hbm>>
      tpu.enqueue_dma source(%dma_start3A_22 : memref<640x16xf32, #tpu.memory_space<hbm>>) target(%arg11 : memref<640x16xf32, #tpu.memory_space<vmem>>) target_semaphore(%run_scoped3A_17 : memref<!tpu.dma_semaphore, #tpu.memory_space<semaphore_mem>>)
      %dma_wait3A = arith.constant 0 : i32
      %dma_wait3A_23 = tpu.memref_slice %arg2[%run_scoped3A, %mul3A_2, %dma_wait3A] : memref<2x10240x16xf32, #tpu.memory_space<hbm>> -> memref<1x640x16xf32, #tpu.memory_space<hbm>>
      %dma_wait3A_24 = tpu.memref_squeeze %dma_wait3A_23 : memref<1x640x16xf32, #tpu.memory_space<hbm>> -> memref<640x16xf32, #tpu.memory_space<hbm>>
      %dma_wait3A_25 = arith.constant 0 : i32
      %dma_wait3A_26 = tpu.memref_slice %arg2[%run_scoped3A, %mul3A_2, %dma_wait3A_25] : memref<2x10240x16xf32, #tpu.memory_space<hbm>> -> memref<1x640x16xf32, #tpu.memory_space<hbm>>
      %dma_wait3A_27 = tpu.memref_squeeze %dma_wait3A_26 : memref<1x640x16xf32, #tpu.memory_space<hbm>> -> memref<640x16xf32, #tpu.memory_space<hbm>>
      tpu.wait_dma2 semaphore(%run_scoped3A_17 : memref<!tpu.dma_semaphore, #tpu.memory_space<semaphore_mem>>) src(%dma_wait3A_27 : memref<640x16xf32, #tpu.memory_space<hbm>>) dst(%arg11 : memref<640x16xf32, #tpu.memory_space<vmem>>)
      tpu.yield
    }) : () -> ()
    %run_scoped3A_3 = arith.constant 1 : i32
    "tpu.region"() ({
      %run_scoped3A_17 = tpu.sem_alloc : memref<!tpu.dma_semaphore, #tpu.memory_space<semaphore_mem>>
      %dma_start3A = arith.constant 0 : i32
      %dma_start3A_18 = tpu.memref_slice %arg2[%run_scoped3A_3, %mul3A_2, %dma_start3A] : memref<2x10240x16xf32, #tpu.memory_space<hbm>> -> memref<1x640x16xf32, #tpu.memory_space<hbm>>
      %dma_start3A_19 = tpu.memref_squeeze %dma_start3A_18 : memref<1x640x16xf32, #tpu.memory_space<hbm>> -> memref<640x16xf32, #tpu.memory_space<hbm>>
      %dma_start3A_20 = arith.constant 0 : i32
      %dma_start3A_21 = tpu.memref_slice %arg2[%run_scoped3A_3, %mul3A_2, %dma_start3A_20] : memref<2x10240x16xf32, #tpu.memory_space<hbm>> -> memref<1x640x16xf32, #tpu.memory_space<hbm>>
      %dma_start3A_22 = tpu.memref_squeeze %dma_start3A_21 : memref<1x640x16xf32, #tpu.memory_space<hbm>> -> memref<640x16xf32, #tpu.memory_space<hbm>>
      tpu.enqueue_dma source(%dma_start3A_22 : memref<640x16xf32, #tpu.memory_space<hbm>>) target(%arg12 : memref<640x16xf32, #tpu.memory_space<vmem>>) target_semaphore(%run_scoped3A_17 : memref<!tpu.dma_semaphore, #tpu.memory_space<semaphore_mem>>)
      %dma_wait3A = arith.constant 0 : i32
      %dma_wait3A_23 = tpu.memref_slice %arg2[%run_scoped3A_3, %mul3A_2, %dma_wait3A] : memref<2x10240x16xf32, #tpu.memory_space<hbm>> -> memref<1x640x16xf32, #tpu.memory_space<hbm>>
      %dma_wait3A_24 = tpu.memref_squeeze %dma_wait3A_23 : memref<1x640x16xf32, #tpu.memory_space<hbm>> -> memref<640x16xf32, #tpu.memory_space<hbm>>
      %dma_wait3A_25 = arith.constant 0 : i32
      %dma_wait3A_26 = tpu.memref_slice %arg2[%run_scoped3A_3, %mul3A_2, %dma_wait3A_25] : memref<2x10240x16xf32, #tpu.memory_space<hbm>> -> memref<1x640x16xf32, #tpu.memory_space<hbm>>
      %dma_wait3A_27 = tpu.memref_squeeze %dma_wait3A_26 : memref<1x640x16xf32, #tpu.memory_space<hbm>> -> memref<640x16xf32, #tpu.memory_space<hbm>>
      tpu.wait_dma2 semaphore(%run_scoped3A_17 : memref<!tpu.dma_semaphore, #tpu.memory_space<semaphore_mem>>) src(%dma_wait3A_27 : memref<640x16xf32, #tpu.memory_space<hbm>>) dst(%arg12 : memref<640x16xf32, #tpu.memory_space<vmem>>)
      tpu.yield
    }) : () -> ()
    "tpu.region"() ({
      %run_scoped3A_17 = tpu.sem_alloc : memref<!tpu.dma_semaphore, #tpu.memory_space<semaphore_mem>>
      tpu.enqueue_dma source(%arg3 : memref<16xf32, #tpu.memory_space<hbm>>) target(%arg13 : memref<16xf32, #tpu.memory_space<vmem>>) target_semaphore(%run_scoped3A_17 : memref<!tpu.dma_semaphore, #tpu.memory_space<semaphore_mem>>)
      tpu.wait_dma2 semaphore(%run_scoped3A_17 : memref<!tpu.dma_semaphore, #tpu.memory_space<semaphore_mem>>) src(%arg3 : memref<16xf32, #tpu.memory_space<hbm>>) dst(%arg13 : memref<16xf32, #tpu.memory_space<vmem>>)
      tpu.yield
    }) : () -> ()
    "tpu.region"() ({
      %run_scoped3A_17 = tpu.sem_alloc : memref<!tpu.dma_semaphore, #tpu.memory_space<semaphore_mem>>
      %dma_start3A = arith.constant 0 : i32
      %dma_start3A_18 = tpu.memref_slice %arg15[%mul3A_2, %dma_start3A] : memref<10240x16xf32, #tpu.memory_space<vmem_shared>> -> memref<640x16xf32, #tpu.memory_space<vmem_shared>>
      %dma_start3A_19 = arith.constant 0 : i32
      %dma_start3A_20 = tpu.memref_slice %arg6[%mul3A_2, %dma_start3A_19] : memref<10240x16xf32, #tpu.memory_space<hbm>> -> memref<640x16xf32, #tpu.memory_space<hbm>>
      tpu.enqueue_dma source(%dma_start3A_20 : memref<640x16xf32, #tpu.memory_space<hbm>>) target(%dma_start3A_18 : memref<640x16xf32, #tpu.memory_space<vmem_shared>>) target_semaphore(%run_scoped3A_17 : memref<!tpu.dma_semaphore, #tpu.memory_space<semaphore_mem>>)
      %dma_wait3A = arith.constant 0 : i32
      %dma_wait3A_21 = tpu.memref_slice %arg15[%mul3A_2, %dma_wait3A] : memref<10240x16xf32, #tpu.memory_space<vmem_shared>> -> memref<640x16xf32, #tpu.memory_space<vmem_shared>>
      %dma_wait3A_22 = arith.constant 0 : i32
      %dma_wait3A_23 = tpu.memref_slice %arg6[%mul3A_2, %dma_wait3A_22] : memref<10240x16xf32, #tpu.memory_space<hbm>> -> memref<640x16xf32, #tpu.memory_space<hbm>>
      tpu.wait_dma2 semaphore(%run_scoped3A_17 : memref<!tpu.dma_semaphore, #tpu.memory_space<semaphore_mem>>) src(%dma_wait3A_23 : memref<640x16xf32, #tpu.memory_space<hbm>>) dst(%dma_wait3A_21 : memref<640x16xf32, #tpu.memory_space<vmem_shared>>)
      tpu.yield
    }) : () -> ()
    %get3A = arith.constant 0 : index
    %get3A_4 = tpu.vector_load %arg13[%get3A] {strides = array<i32>} : memref<16xf32, #tpu.memory_space<vmem>>, vector<16xf32>,
    %get3A_5 = vector.shape_cast %get3A_4 : vector<16xf32> to vector<16xf32>
    %scan3A = arith.constant 0 : i32
    %scan3A_6 = arith.constant 640 : i32
    %scan3A_7 = arith.addi %scan3A, %scan3A_6 : i32
    %scan3A_8 = arith.constant 8 : i32
    scf.for %scan3A_17 = %scan3A to %scan3A_7 step %scan3A_8  : i32 {
      %mul3A_18 = arith.constant 1 : i32
      %mul3A_19 = arith.muli %scan3A_17, %mul3A_18 : i32
      %add3A_20 = arith.constant 0 : i32
      %add3A_21 = arith.addi %add3A_20, %mul3A_19 : i32
      %get3A_22 = arith.index_cast %add3A_21 : i32 to index
      %get3A_23 = arith.constant 0 : index
      %get3A_24 = tpu.vector_load %arg11[%get3A_22, %get3A_23] {strides = array<i32>} : memref<640x16xf32, #tpu.memory_space<vmem>>, vector<1x16xf32>,
      %get3A_25 = vector.shape_cast %get3A_24 : vector<1x16xf32> to vector<16xf32>
      %get3A_26 = arith.index_cast %add3A_21 : i32 to index
      %get3A_27 = arith.constant 0 : index
      %get3A_28 = tpu.vector_load %arg12[%get3A_26, %get3A_27] {strides = array<i32>} : memref<640x16xf32, #tpu.memory_space<vmem>>, vector<1x16xf32>,
      %get3A_29 = vector.shape_cast %get3A_28 : vector<1x16xf32> to vector<16xf32>
      %add3A_30 = arith.addf %get3A_25, %get3A_29 : vector<16xf32>
      %add3A_31 = arith.addf %add3A_30, %get3A_5 : vector<16xf32>
      %max3A = arith.constant 0.000000e+00 : f32
      %max3A_32 = vector.broadcast %max3A : f32 to vector<16xf32>
      %max3A_33 = arith.maximumf %add3A_31, %max3A_32 : vector<16xf32>
      %swap3A = arith.index_cast %add3A_21 : i32 to index
      %swap3A_34 = arith.constant 0 : index
      %swap3A_35 = tpu.vector_load %arg11[%swap3A, %swap3A_34] {strides = array<i32>} : memref<640x16xf32, #tpu.memory_space<vmem>>, vector<1x16xf32>,
      %swap3A_36 = vector.shape_cast %swap3A_35 : vector<1x16xf32> to vector<16xf32>
      %swap3A_37 = vector.shape_cast %max3A_33 : vector<16xf32> to vector<1x16xf32>
      tpu.vector_store %arg11[%swap3A, %swap3A_34], %swap3A_37 {strides = array<i32>} : memref<640x16xf32, #tpu.memory_space<vmem>>, vector<1x16xf32>,
      %scan3A_38 = arith.constant 1 : i32
      %scan3A_39 = arith.addi %scan3A_17, %scan3A_38 : i32
      %mul3A_40 = arith.constant 1 : i32
      %mul3A_41 = arith.muli %scan3A_39, %mul3A_40 : i32
      %add3A_42 = arith.constant 0 : i32
      %add3A_43 = arith.addi %add3A_42, %mul3A_41 : i32
      %get3A_44 = arith.index_cast %add3A_43 : i32 to index
      %get3A_45 = arith.constant 0 : index
      %get3A_46 = tpu.vector_load %arg11[%get3A_44, %get3A_45] {strides = array<i32>} : memref<640x16xf32, #tpu.memory_space<vmem>>, vector<1x16xf32>,
      %get3A_47 = vector.shape_cast %get3A_46 : vector<1x16xf32> to vector<16xf32>
      %get3A_48 = arith.index_cast %add3A_43 : i32 to index
      %get3A_49 = arith.constant 0 : index
      %get3A_50 = tpu.vector_load %arg12[%get3A_48, %get3A_49] {strides = array<i32>} : memref<640x16xf32, #tpu.memory_space<vmem>>, vector<1x16xf32>,
      %get3A_51 = vector.shape_cast %get3A_50 : vector<1x16xf32> to vector<16xf32>
      %add3A_52 = arith.addf %get3A_47, %get3A_51 : vector<16xf32>
      %add3A_53 = arith.addf %add3A_52, %get3A_5 : vector<16xf32>
      %max3A_54 = arith.constant 0.000000e+00 : f32
      %max3A_55 = vector.broadcast %max3A_54 : f32 to vector<16xf32>
      %max3A_56 = arith.maximumf %add3A_53, %max3A_55 : vector<16xf32>
      %swap3A_57 = arith.index_cast %add3A_43 : i32 to index
      %swap3A_58 = arith.constant 0 : index
      %swap3A_59 = tpu.vector_load %arg11[%swap3A_57, %swap3A_58] {strides = array<i32>} : memref<640x16xf32, #tpu.memory_space<vmem>>, vector<1x16xf32>,
      %swap3A_60 = vector.shape_cast %swap3A_59 : vector<1x16xf32> to vector<16xf32>
      %swap3A_61 = vector.shape_cast %max3A_56 : vector<16xf32> to vector<1x16xf32>
      tpu.vector_store %arg11[%swap3A_57, %swap3A_58], %swap3A_61 {strides = array<i32>} : memref<640x16xf32, #tpu.memory_space<vmem>>, vector<1x16xf32>,
      %scan3A_62 = arith.constant 2 : i32
      %scan3A_63 = arith.addi %scan3A_17, %scan3A_62 : i32
      %mul3A_64 = arith.constant 1 : i32
      %mul3A_65 = arith.muli %scan3A_63, %mul3A_64 : i32
      %add3A_66 = arith.constant 0 : i32
      %add3A_67 = arith.addi %add3A_66, %mul3A_65 : i32
      %get3A_68 = arith.index_cast %add3A_67 : i32 to index
      %get3A_69 = arith.constant 0 : index
      %get3A_70 = tpu.vector_load %arg11[%get3A_68, %get3A_69] {strides = array<i32>} : memref<640x16xf32, #tpu.memory_space<vmem>>, vector<1x16xf32>,
      %get3A_71 = vector.shape_cast %get3A_70 : vector<1x16xf32> to vector<16xf32>
      %get3A_72 = arith.index_cast %add3A_67 : i32 to index
      %get3A_73 = arith.constant 0 : index
      %get3A_74 = tpu.vector_load %arg12[%get3A_72, %get3A_73] {strides = array<i32>} : memref<640x16xf32, #tpu.memory_space<vmem>>, vector<1x16xf32>,
      %get3A_75 = vector.shape_cast %get3A_74 : vector<1x16xf32> to vector<16xf32>
      %add3A_76 = arith.addf %get3A_71, %get3A_75 : vector<16xf32>
      %add3A_77 = arith.addf %add3A_76, %get3A_5 : vector<16xf32>
      %max3A_78 = arith.constant 0.000000e+00 : f32
      %max3A_79 = vector.broadcast %max3A_78 : f32 to vector<16xf32>
      %max3A_80 = arith.maximumf %add3A_77, %max3A_79 : vector<16xf32>
      %swap3A_81 = arith.index_cast %add3A_67 : i32 to index
      %swap3A_82 = arith.constant 0 : index
      %swap3A_83 = tpu.vector_load %arg11[%swap3A_81, %swap3A_82] {strides = array<i32>} : memref<640x16xf32, #tpu.memory_space<vmem>>, vector<1x16xf32>,
      %swap3A_84 = vector.shape_cast %swap3A_83 : vector<1x16xf32> to vector<16xf32>
      %swap3A_85 = vector.shape_cast %max3A_80 : vector<16xf32> to vector<1x16xf32>
      tpu.vector_store %arg11[%swap3A_81, %swap3A_82], %swap3A_85 {strides = array<i32>} : memref<640x16xf32, #tpu.memory_space<vmem>>, vector<1x16xf32>,
      %scan3A_86 = arith.constant 3 : i32
      %scan3A_87 = arith.addi %scan3A_17, %scan3A_86 : i32
      %mul3A_88 = arith.constant 1 : i32
      %mul3A_89 = arith.muli %scan3A_87, %mul3A_88 : i32
      %add3A_90 = arith.constant 0 : i32
      %add3A_91 = arith.addi %add3A_90, %mul3A_89 : i32
      %get3A_92 = arith.index_cast %add3A_91 : i32 to index
      %get3A_93 = arith.constant 0 : index
      %get3A_94 = tpu.vector_load %arg11[%get3A_92, %get3A_93] {strides = array<i32>} : memref<640x16xf32, #tpu.memory_space<vmem>>, vector<1x16xf32>,
      %get3A_95 = vector.shape_cast %get3A_94 : vector<1x16xf32> to vector<16xf32>
      %get3A_96 = arith.index_cast %add3A_91 : i32 to index
      %get3A_97 = arith.constant 0 : index
      %get3A_98 = tpu.vector_load %arg12[%get3A_96, %get3A_97] {strides = array<i32>} : memref<640x16xf32, #tpu.memory_space<vmem>>, vector<1x16xf32>,
      %get3A_99 = vector.shape_cast %get3A_98 : vector<1x16xf32> to vector<16xf32>
      %add3A_100 = arith.addf %get3A_95, %get3A_99 : vector<16xf32>
      %add3A_101 = arith.addf %add3A_100, %get3A_5 : vector<16xf32>
      %max3A_102 = arith.constant 0.000000e+00 : f32
      %max3A_103 = vector.broadcast %max3A_102 : f32 to vector<16xf32>
      %max3A_104 = arith.maximumf %add3A_101, %max3A_103 : vector<16xf32>
      %swap3A_105 = arith.index_cast %add3A_91 : i32 to index
      %swap3A_106 = arith.constant 0 : index
      %swap3A_107 = tpu.vector_load %arg11[%swap3A_105, %swap3A_106] {strides = array<i32>} : memref<640x16xf32, #tpu.memory_space<vmem>>, vector<1x16xf32>,
      %swap3A_108 = vector.shape_cast %swap3A_107 : vector<1x16xf32> to vector<16xf32>
      %swap3A_109 = vector.shape_cast %max3A_104 : vector<16xf32> to vector<1x16xf32>
      tpu.vector_store %arg11[%swap3A_105, %swap3A_106], %swap3A_109 {strides = array<i32>} : memref<640x16xf32, #tpu.memory_space<vmem>>, vector<1x16xf32>,
      %scan3A_110 = arith.constant 4 : i32
      %scan3A_111 = arith.addi %scan3A_17, %scan3A_110 : i32
      %mul3A_112 = arith.constant 1 : i32
      %mul3A_113 = arith.muli %scan3A_111, %mul3A_112 : i32
      %add3A_114 = arith.constant 0 : i32
      %add3A_115 = arith.addi %add3A_114, %mul3A_113 : i32
      %get3A_116 = arith.index_cast %add3A_115 : i32 to index
      %get3A_117 = arith.constant 0 : index
      %get3A_118 = tpu.vector_load %arg11[%get3A_116, %get3A_117] {strides = array<i32>} : memref<640x16xf32, #tpu.memory_space<vmem>>, vector<1x16xf32>,
      %get3A_119 = vector.shape_cast %get3A_118 : vector<1x16xf32> to vector<16xf32>
      %get3A_120 = arith.index_cast %add3A_115 : i32 to index
      %get3A_121 = arith.constant 0 : index
      %get3A_122 = tpu.vector_load %arg12[%get3A_120, %get3A_121] {strides = array<i32>} : memref<640x16xf32, #tpu.memory_space<vmem>>, vector<1x16xf32>,
      %get3A_123 = vector.shape_cast %get3A_122 : vector<1x16xf32> to vector<16xf32>
      %add3A_124 = arith.addf %get3A_119, %get3A_123 : vector<16xf32>
      %add3A_125 = arith.addf %add3A_124, %get3A_5 : vector<16xf32>
      %max3A_126 = arith.constant 0.000000e+00 : f32
      %max3A_127 = vector.broadcast %max3A_126 : f32 to vector<16xf32>
      %max3A_128 = arith.maximumf %add3A_125, %max3A_127 : vector<16xf32>
      %swap3A_129 = arith.index_cast %add3A_115 : i32 to index
      %swap3A_130 = arith.constant 0 : index
      %swap3A_131 = tpu.vector_load %arg11[%swap3A_129, %swap3A_130] {strides = array<i32>} : memref<640x16xf32, #tpu.memory_space<vmem>>, vector<1x16xf32>,
      %swap3A_132 = vector.shape_cast %swap3A_131 : vector<1x16xf32> to vector<16xf32>
      %swap3A_133 = vector.shape_cast %max3A_128 : vector<16xf32> to vector<1x16xf32>
      tpu.vector_store %arg11[%swap3A_129, %swap3A_130], %swap3A_133 {strides = array<i32>} : memref<640x16xf32, #tpu.memory_space<vmem>>, vector<1x16xf32>,
      %scan3A_134 = arith.constant 5 : i32
      %scan3A_135 = arith.addi %scan3A_17, %scan3A_134 : i32
      %mul3A_136 = arith.constant 1 : i32
      %mul3A_137 = arith.muli %scan3A_135, %mul3A_136 : i32
      %add3A_138 = arith.constant 0 : i32
      %add3A_139 = arith.addi %add3A_138, %mul3A_137 : i32
      %get3A_140 = arith.index_cast %add3A_139 : i32 to index
      %get3A_141 = arith.constant 0 : index
      %get3A_142 = tpu.vector_load %arg11[%get3A_140, %get3A_141] {strides = array<i32>} : memref<640x16xf32, #tpu.memory_space<vmem>>, vector<1x16xf32>,
      %get3A_143 = vector.shape_cast %get3A_142 : vector<1x16xf32> to vector<16xf32>
      %get3A_144 = arith.index_cast %add3A_139 : i32 to index
      %get3A_145 = arith.constant 0 : index
      %get3A_146 = tpu.vector_load %arg12[%get3A_144, %get3A_145] {strides = array<i32>} : memref<640x16xf32, #tpu.memory_space<vmem>>, vector<1x16xf32>,
      %get3A_147 = vector.shape_cast %get3A_146 : vector<1x16xf32> to vector<16xf32>
      %add3A_148 = arith.addf %get3A_143, %get3A_147 : vector<16xf32>
      %add3A_149 = arith.addf %add3A_148, %get3A_5 : vector<16xf32>
      %max3A_150 = arith.constant 0.000000e+00 : f32
      %max3A_151 = vector.broadcast %max3A_150 : f32 to vector<16xf32>
      %max3A_152 = arith.maximumf %add3A_149, %max3A_151 : vector<16xf32>
      %swap3A_153 = arith.index_cast %add3A_139 : i32 to index
      %swap3A_154 = arith.constant 0 : index
      %swap3A_155 = tpu.vector_load %arg11[%swap3A_153, %swap3A_154] {strides = array<i32>} : memref<640x16xf32, #tpu.memory_space<vmem>>, vector<1x16xf32>,
      %swap3A_156 = vector.shape_cast %swap3A_155 : vector<1x16xf32> to vector<16xf32>
      %swap3A_157 = vector.shape_cast %max3A_152 : vector<16xf32> to vector<1x16xf32>
      tpu.vector_store %arg11[%swap3A_153, %swap3A_154], %swap3A_157 {strides = array<i32>} : memref<640x16xf32, #tpu.memory_space<vmem>>, vector<1x16xf32>,
      %scan3A_158 = arith.constant 6 : i32
      %scan3A_159 = arith.addi %scan3A_17, %scan3A_158 : i32
      %mul3A_160 = arith.constant 1 : i32
      %mul3A_161 = arith.muli %scan3A_159, %mul3A_160 : i32
      %add3A_162 = arith.constant 0 : i32
      %add3A_163 = arith.addi %add3A_162, %mul3A_161 : i32
      %get3A_164 = arith.index_cast %add3A_163 : i32 to index
      %get3A_165 = arith.constant 0 : index
      %get3A_166 = tpu.vector_load %arg11[%get3A_164, %get3A_165] {strides = array<i32>} : memref<640x16xf32, #tpu.memory_space<vmem>>, vector<1x16xf32>,
      %get3A_167 = vector.shape_cast %get3A_166 : vector<1x16xf32> to vector<16xf32>
      %get3A_168 = arith.index_cast %add3A_163 : i32 to index
      %get3A_169 = arith.constant 0 : index
      %get3A_170 = tpu.vector_load %arg12[%get3A_168, %get3A_169] {strides = array<i32>} : memref<640x16xf32, #tpu.memory_space<vmem>>, vector<1x16xf32>,
      %get3A_171 = vector.shape_cast %get3A_170 : vector<1x16xf32> to vector<16xf32>
      %add3A_172 = arith.addf %get3A_167, %get3A_171 : vector<16xf32>
      %add3A_173 = arith.addf %add3A_172, %get3A_5 : vector<16xf32>
      %max3A_174 = arith.constant 0.000000e+00 : f32
      %max3A_175 = vector.broadcast %max3A_174 : f32 to vector<16xf32>
      %max3A_176 = arith.maximumf %add3A_173, %max3A_175 : vector<16xf32>
      %swap3A_177 = arith.index_cast %add3A_163 : i32 to index
      %swap3A_178 = arith.constant 0 : index
      %swap3A_179 = tpu.vector_load %arg11[%swap3A_177, %swap3A_178] {strides = array<i32>} : memref<640x16xf32, #tpu.memory_space<vmem>>, vector<1x16xf32>,
      %swap3A_180 = vector.shape_cast %swap3A_179 : vector<1x16xf32> to vector<16xf32>
      %swap3A_181 = vector.shape_cast %max3A_176 : vector<16xf32> to vector<1x16xf32>
      tpu.vector_store %arg11[%swap3A_177, %swap3A_178], %swap3A_181 {strides = array<i32>} : memref<640x16xf32, #tpu.memory_space<vmem>>, vector<1x16xf32>,
      %scan3A_182 = arith.constant 7 : i32
      %scan3A_183 = arith.addi %scan3A_17, %scan3A_182 : i32
      %mul3A_184 = arith.constant 1 : i32
      %mul3A_185 = arith.muli %scan3A_183, %mul3A_184 : i32
      %add3A_186 = arith.constant 0 : i32
      %add3A_187 = arith.addi %add3A_186, %mul3A_185 : i32
      %get3A_188 = arith.index_cast %add3A_187 : i32 to index
      %get3A_189 = arith.constant 0 : index
      %get3A_190 = tpu.vector_load %arg11[%get3A_188, %get3A_189] {strides = array<i32>} : memref<640x16xf32, #tpu.memory_space<vmem>>, vector<1x16xf32>,
      %get3A_191 = vector.shape_cast %get3A_190 : vector<1x16xf32> to vector<16xf32>
      %get3A_192 = arith.index_cast %add3A_187 : i32 to index
      %get3A_193 = arith.constant 0 : index
      %get3A_194 = tpu.vector_load %arg12[%get3A_192, %get3A_193] {strides = array<i32>} : memref<640x16xf32, #tpu.memory_space<vmem>>, vector<1x16xf32>,
      %get3A_195 = vector.shape_cast %get3A_194 : vector<1x16xf32> to vector<16xf32>
      %add3A_196 = arith.addf %get3A_191, %get3A_195 : vector<16xf32>
      %add3A_197 = arith.addf %add3A_196, %get3A_5 : vector<16xf32>
      %max3A_198 = arith.constant 0.000000e+00 : f32
      %max3A_199 = vector.broadcast %max3A_198 : f32 to vector<16xf32>
      %max3A_200 = arith.maximumf %add3A_197, %max3A_199 : vector<16xf32>
      %swap3A_201 = arith.index_cast %add3A_187 : i32 to index
      %swap3A_202 = arith.constant 0 : index
      %swap3A_203 = tpu.vector_load %arg11[%swap3A_201, %swap3A_202] {strides = array<i32>} : memref<640x16xf32, #tpu.memory_space<vmem>>, vector<1x16xf32>,
      %swap3A_204 = vector.shape_cast %swap3A_203 : vector<1x16xf32> to vector<16xf32>
      %swap3A_205 = vector.shape_cast %max3A_200 : vector<16xf32> to vector<1x16xf32>
      tpu.vector_store %arg11[%swap3A_201, %swap3A_202], %swap3A_205 {strides = array<i32>} : memref<640x16xf32, #tpu.memory_space<vmem>>, vector<1x16xf32>,
    }
    %scan3A_9 = arith.constant 640 : i32
    "tpu.region"() ({
      %run_scoped3A_17 = tpu.sem_alloc : memref<!tpu.dma_semaphore, #tpu.memory_space<semaphore_mem>>
      %dma_start3A = arith.constant 0 : i32
      %dma_start3A_18 = tpu.memref_slice %arg14[%mul3A_2, %dma_start3A] : memref<10240x16xf32, #tpu.memory_space<vmem_shared>> -> memref<640x16xf32, #tpu.memory_space<vmem_shared>>
      %dma_start3A_19 = arith.constant 0 : i32
      %dma_start3A_20 = tpu.memref_slice %arg14[%mul3A_2, %dma_start3A_19] : memref<10240x16xf32, #tpu.memory_space<vmem_shared>> -> memref<640x16xf32, #tpu.memory_space<vmem_shared>>
      tpu.enqueue_dma source(%arg11 : memref<640x16xf32, #tpu.memory_space<vmem>>) target(%dma_start3A_20 : memref<640x16xf32, #tpu.memory_space<vmem_shared>>) target_semaphore(%run_scoped3A_17 : memref<!tpu.dma_semaphore, #tpu.memory_space<semaphore_mem>>)
      %dma_wait3A = arith.constant 0 : i32
      %dma_wait3A_21 = tpu.memref_slice %arg14[%mul3A_2, %dma_wait3A] : memref<10240x16xf32, #tpu.memory_space<vmem_shared>> -> memref<640x16xf32, #tpu.memory_space<vmem_shared>>
      %dma_wait3A_22 = arith.constant 0 : i32
      %dma_wait3A_23 = tpu.memref_slice %arg14[%mul3A_2, %dma_wait3A_22] : memref<10240x16xf32, #tpu.memory_space<vmem_shared>> -> memref<640x16xf32, #tpu.memory_space<vmem_shared>>
      tpu.wait_dma2 semaphore(%run_scoped3A_17 : memref<!tpu.dma_semaphore, #tpu.memory_space<semaphore_mem>>) src(%arg11 : memref<640x16xf32, #tpu.memory_space<vmem>>) dst(%dma_wait3A_23 : memref<640x16xf32, #tpu.memory_space<vmem_shared>>)
      tpu.yield
    }) : () -> ()
    %barrier3A = arith.constant 0 : index
    tpu.barrier barrier_id(%barrier3A)
    "tpu.region"() ({
      %run_scoped3A_17 = tpu.sem_alloc : memref<!tpu.dma_semaphore, #tpu.memory_space<semaphore_mem>>
      %dma_start3A = arith.constant 0 : i32
      %dma_start3A_18 = arith.constant 0 : i32
      %dma_start3A_19 = tpu.memref_slice %arg4[%add3A, %dma_start3A, %dma_start3A_18] : memref<32x5x2048xi32, #tpu.memory_space<hbm>> -> memref<1x5x2048xi32, #tpu.memory_space<hbm>>
      %dma_start3A_20 = tpu.memref_squeeze %dma_start3A_19 : memref<1x5x2048xi32, #tpu.memory_space<hbm>> -> memref<5x2048xi32, #tpu.memory_space<hbm>>
      %dma_start3A_21 = arith.constant 0 : i32
      %dma_start3A_22 = arith.constant 0 : i32
      %dma_start3A_23 = tpu.memref_slice %arg4[%add3A, %dma_start3A_21, %dma_start3A_22] : memref<32x5x2048xi32, #tpu.memory_space<hbm>> -> memref<1x5x2048xi32, #tpu.memory_space<hbm>>
      %dma_start3A_24 = tpu.memref_squeeze %dma_start3A_23 : memref<1x5x2048xi32, #tpu.memory_space<hbm>> -> memref<5x2048xi32, #tpu.memory_space<hbm>>
      tpu.enqueue_dma source(%dma_start3A_24 : memref<5x2048xi32, #tpu.memory_space<hbm>>) target(%arg8 : memref<5x2048xi32, #tpu.memory_space<vmem>>) target_semaphore(%run_scoped3A_17 : memref<!tpu.dma_semaphore, #tpu.memory_space<semaphore_mem>>)
      %dma_wait3A = arith.constant 0 : i32
      %dma_wait3A_25 = arith.constant 0 : i32
      %dma_wait3A_26 = tpu.memref_slice %arg4[%add3A, %dma_wait3A, %dma_wait3A_25] : memref<32x5x2048xi32, #tpu.memory_space<hbm>> -> memref<1x5x2048xi32, #tpu.memory_space<hbm>>
      %dma_wait3A_27 = tpu.memref_squeeze %dma_wait3A_26 : memref<1x5x2048xi32, #tpu.memory_space<hbm>> -> memref<5x2048xi32, #tpu.memory_space<hbm>>
      %dma_wait3A_28 = arith.constant 0 : i32
      %dma_wait3A_29 = arith.constant 0 : i32
      %dma_wait3A_30 = tpu.memref_slice %arg4[%add3A, %dma_wait3A_28, %dma_wait3A_29] : memref<32x5x2048xi32, #tpu.memory_space<hbm>> -> memref<1x5x2048xi32, #tpu.memory_space<hbm>>
      %dma_wait3A_31 = tpu.memref_squeeze %dma_wait3A_30 : memref<1x5x2048xi32, #tpu.memory_space<hbm>> -> memref<5x2048xi32, #tpu.memory_space<hbm>>
      tpu.wait_dma2 semaphore(%run_scoped3A_17 : memref<!tpu.dma_semaphore, #tpu.memory_space<semaphore_mem>>) src(%dma_wait3A_31 : memref<5x2048xi32, #tpu.memory_space<hbm>>) dst(%arg8 : memref<5x2048xi32, #tpu.memory_space<vmem>>)
      tpu.yield
    }) : () -> ()
    "tpu.region"() ({
      %run_scoped3A_17 = tpu.sem_alloc : memref<!tpu.dma_semaphore, #tpu.memory_space<semaphore_mem>>
      %dma_start3A = arith.constant 0 : i32
      %dma_start3A_18 = arith.constant 0 : i32
      %dma_start3A_19 = tpu.memref_slice %arg5[%add3A, %dma_start3A, %dma_start3A_18] : memref<32x5x2048xi32, #tpu.memory_space<hbm>> -> memref<1x5x2048xi32, #tpu.memory_space<hbm>>
      %dma_start3A_20 = tpu.memref_squeeze %dma_start3A_19 : memref<1x5x2048xi32, #tpu.memory_space<hbm>> -> memref<5x2048xi32, #tpu.memory_space<hbm>>
      %dma_start3A_21 = arith.constant 0 : i32
      %dma_start3A_22 = arith.constant 0 : i32
      %dma_start3A_23 = tpu.memref_slice %arg5[%add3A, %dma_start3A_21, %dma_start3A_22] : memref<32x5x2048xi32, #tpu.memory_space<hbm>> -> memref<1x5x2048xi32, #tpu.memory_space<hbm>>
      %dma_start3A_24 = tpu.memref_squeeze %dma_start3A_23 : memref<1x5x2048xi32, #tpu.memory_space<hbm>> -> memref<5x2048xi32, #tpu.memory_space<hbm>>
      tpu.enqueue_dma source(%dma_start3A_24 : memref<5x2048xi32, #tpu.memory_space<hbm>>) target(%arg9 : memref<5x2048xi32, #tpu.memory_space<vmem>>) target_semaphore(%run_scoped3A_17 : memref<!tpu.dma_semaphore, #tpu.memory_space<semaphore_mem>>)
      %dma_wait3A = arith.constant 0 : i32
      %dma_wait3A_25 = arith.constant 0 : i32
      %dma_wait3A_26 = tpu.memref_slice %arg5[%add3A, %dma_wait3A, %dma_wait3A_25] : memref<32x5x2048xi32, #tpu.memory_space<hbm>> -> memref<1x5x2048xi32, #tpu.memory_space<hbm>>
      %dma_wait3A_27 = tpu.memref_squeeze %dma_wait3A_26 : memref<1x5x2048xi32, #tpu.memory_space<hbm>> -> memref<5x2048xi32, #tpu.memory_space<hbm>>
      %dma_wait3A_28 = arith.constant 0 : i32
      %dma_wait3A_29 = arith.constant 0 : i32
      %dma_wait3A_30 = tpu.memref_slice %arg5[%add3A, %dma_wait3A_28, %dma_wait3A_29] : memref<32x5x2048xi32, #tpu.memory_space<hbm>> -> memref<1x5x2048xi32, #tpu.memory_space<hbm>>
      %dma_wait3A_31 = tpu.memref_squeeze %dma_wait3A_30 : memref<1x5x2048xi32, #tpu.memory_space<hbm>> -> memref<5x2048xi32, #tpu.memory_space<hbm>>
      tpu.wait_dma2 semaphore(%run_scoped3A_17 : memref<!tpu.dma_semaphore, #tpu.memory_space<semaphore_mem>>) src(%dma_wait3A_31 : memref<5x2048xi32, #tpu.memory_space<hbm>>) dst(%arg9 : memref<5x2048xi32, #tpu.memory_space<vmem>>)
      tpu.yield
    }) : () -> ()
    %scan3A_10 = arith.constant 0 : i32
    %scan3A_11 = arith.constant 0 : i32
    %scan3A_12 = arith.constant 5 : i32
    %scan3A_13 = arith.addi %scan3A_11, %scan3A_12 : i32
    %scan3A_14 = arith.constant 1 : i32
    scf.for %scan3A_17 = %scan3A_11 to %scan3A_13 step %scan3A_14  : i32 {
      %dma_start3A = arith.constant 0 : i32
      %dma_start3A_18 = tpu.memref_slice %arg8[%scan3A_17, %dma_start3A] : memref<5x2048xi32, #tpu.memory_space<vmem>> -> memref<1x2048xi32, #tpu.memory_space<vmem>>
      %dma_start3A_19 = tpu.memref_squeeze %dma_start3A_18 : memref<1x2048xi32, #tpu.memory_space<vmem>> -> memref<2048xi32, #tpu.memory_space<vmem>>
      %dma_start3A_20 = arith.constant 0 : i32
      %dma_start3A_21 = arith.constant 0 : i32
      %dma_start3A_22 = tpu.memref_slice %arg14[%dma_start3A_20, %dma_start3A_21] : memref<10240x16xf32, #tpu.memory_space<vmem_shared>> -> memref<10240x16xf32, #tpu.memory_space<vmem_shared>>
      tpu.enqueue_indirect_dma source(%dma_start3A_22 : memref<10240x16xf32, #tpu.memory_space<vmem_shared>>) target(%arg10 : memref<2048x16xf32, #tpu.memory_space<vmem>>) offsets(%dma_start3A_19 : memref<2048xi32, #tpu.memory_space<vmem>>) semaphore(%arg16 : memref<!tpu.dma_semaphore, #tpu.memory_space<semaphore_mem>>)
      %dma_wait3A = arith.constant 0 : i32
      %dma_wait3A_23 = tpu.memref_slice %arg8[%scan3A_17, %dma_wait3A] : memref<5x2048xi32, #tpu.memory_space<vmem>> -> memref<1x2048xi32, #tpu.memory_space<vmem>>
      %dma_wait3A_24 = tpu.memref_squeeze %dma_wait3A_23 : memref<1x2048xi32, #tpu.memory_space<vmem>> -> memref<2048xi32, #tpu.memory_space<vmem>>
      %dma_wait3A_25 = arith.constant 0 : i32
      %dma_wait3A_26 = arith.constant 0 : i32
      %dma_wait3A_27 = tpu.memref_slice %arg14[%dma_wait3A_25, %dma_wait3A_26] : memref<10240x16xf32, #tpu.memory_space<vmem_shared>> -> memref<10240x16xf32, #tpu.memory_space<vmem_shared>>
      tpu.wait_indirect_dma semaphore(%arg16 : memref<!tpu.dma_semaphore, #tpu.memory_space<semaphore_mem>>) src(%dma_wait3A_27 : memref<10240x16xf32, #tpu.memory_space<vmem_shared>>) dst(%arg10 : memref<2048x16xf32, #tpu.memory_space<vmem>>)
      "tpu.region"() ({
        %run_scoped3A_28 = tpu.sem_alloc : memref<!tpu.dma_semaphore, #tpu.memory_space<semaphore_mem>>
        %dma_start3A_29 = arith.constant 0 : i32
        %dma_start3A_30 = tpu.memref_slice %arg9[%scan3A_17, %dma_start3A_29] : memref<5x2048xi32, #tpu.memory_space<vmem>> -> memref<1x2048xi32, #tpu.memory_space<vmem>>
        %dma_start3A_31 = tpu.memref_squeeze %dma_start3A_30 : memref<1x2048xi32, #tpu.memory_space<vmem>> -> memref<2048xi32, #tpu.memory_space<vmem>>
        %dma_start3A_32 = arith.constant 0 : i32
        %dma_start3A_33 = arith.constant 0 : i32
        %dma_start3A_34 = tpu.memref_slice %arg15[%dma_start3A_32, %dma_start3A_33] : memref<10240x16xf32, #tpu.memory_space<vmem_shared>> -> memref<10240x16xf32, #tpu.memory_space<vmem_shared>>
        tpu.enqueue_indirect_dma source(%arg10 : memref<2048x16xf32, #tpu.memory_space<vmem>>) target(%dma_start3A_34 : memref<10240x16xf32, #tpu.memory_space<vmem_shared>>) offsets(%dma_start3A_31 : memref<2048xi32, #tpu.memory_space<vmem>>) semaphore(%run_scoped3A_28 : memref<!tpu.dma_semaphore, #tpu.memory_space<semaphore_mem>>) {add = true}
        %dma_wait3A_35 = arith.constant 0 : i32
        %dma_wait3A_36 = tpu.memref_slice %arg9[%scan3A_17, %dma_wait3A_35] : memref<5x2048xi32, #tpu.memory_space<vmem>> -> memref<1x2048xi32, #tpu.memory_space<vmem>>
        %dma_wait3A_37 = tpu.memref_squeeze %dma_wait3A_36 : memref<1x2048xi32, #tpu.memory_space<vmem>> -> memref<2048xi32, #tpu.memory_space<vmem>>
        %dma_wait3A_38 = arith.constant 0 : i32
        %dma_wait3A_39 = arith.constant 0 : i32
        %dma_wait3A_40 = tpu.memref_slice %arg15[%dma_wait3A_38, %dma_wait3A_39] : memref<10240x16xf32, #tpu.memory_space<vmem_shared>> -> memref<10240x16xf32, #tpu.memory_space<vmem_shared>>
        tpu.wait_indirect_dma semaphore(%run_scoped3A_28 : memref<!tpu.dma_semaphore, #tpu.memory_space<semaphore_mem>>) src(%arg10 : memref<2048x16xf32, #tpu.memory_space<vmem>>) dst(%dma_wait3A_40 : memref<10240x16xf32, #tpu.memory_space<vmem_shared>>)
        tpu.yield
      }) : () -> ()
    }
    %scan3A_15 = arith.constant 5 : i32
    %barrier3A_16 = arith.constant 0 : index
    tpu.barrier barrier_id(%barrier3A_16)
    "tpu.region"() ({
      %run_scoped3A_17 = tpu.sem_alloc : memref<!tpu.dma_semaphore, #tpu.memory_space<semaphore_mem>>
      %dma_start3A = arith.constant 0 : i32
      %dma_start3A_18 = tpu.memref_slice %arg7[%arg0, %mul3A_2, %dma_start3A] : memref<2x10240x16xf32, #tpu.memory_space<hbm>> -> memref<1x640x16xf32, #tpu.memory_space<hbm>>
      %dma_start3A_19 = tpu.memref_squeeze %dma_start3A_18 : memref<1x640x16xf32, #tpu.memory_space<hbm>> -> memref<640x16xf32, #tpu.memory_space<hbm>>
      %dma_start3A_20 = arith.constant 0 : i32
      %dma_start3A_21 = tpu.memref_slice %arg15[%mul3A_2, %dma_start3A_20] : memref<10240x16xf32, #tpu.memory_space<vmem_shared>> -> memref<640x16xf32, #tpu.memory_space<vmem_shared>>
      tpu.enqueue_dma source(%dma_start3A_21 : memref<640x16xf32, #tpu.memory_space<vmem_shared>>) target(%dma_start3A_19 : memref<640x16xf32, #tpu.memory_space<hbm>>) target_semaphore(%run_scoped3A_17 : memref<!tpu.dma_semaphore, #tpu.memory_space<semaphore_mem>>)
      %dma_wait3A = arith.constant 0 : i32
      %dma_wait3A_22 = tpu.memref_slice %arg7[%arg0, %mul3A_2, %dma_wait3A] : memref<2x10240x16xf32, #tpu.memory_space<hbm>> -> memref<1x640x16xf32, #tpu.memory_space<hbm>>
      %dma_wait3A_23 = tpu.memref_squeeze %dma_wait3A_22 : memref<1x640x16xf32, #tpu.memory_space<hbm>> -> memref<640x16xf32, #tpu.memory_space<hbm>>
      %dma_wait3A_24 = arith.constant 0 : i32
      %dma_wait3A_25 = tpu.memref_slice %arg15[%mul3A_2, %dma_wait3A_24] : memref<10240x16xf32, #tpu.memory_space<vmem_shared>> -> memref<640x16xf32, #tpu.memory_space<vmem_shared>>
      tpu.wait_dma2 semaphore(%run_scoped3A_17 : memref<!tpu.dma_semaphore, #tpu.memory_space<semaphore_mem>>) src(%dma_wait3A_25 : memref<640x16xf32, #tpu.memory_space<vmem_shared>>) dst(%dma_wait3A_23 : memref<640x16xf32, #tpu.memory_space<hbm>>)
      tpu.yield
    }) : () -> ()
    return
  }
}

#map = affine_map<(d0, d1) -> (0, 0)>
#map1 = affine_map<(d0, d1) -> (0, 0, 0)>
module attributes {stable_mosaic.version = 14 : i64} {
  func.func @_sc_agg_body(%arg0: i32, %arg1: i32, %arg2: memref<10000x16xf32, #tpu.memory_space<hbm>>, %arg3: memref<32x5x2048xi32, #tpu.memory_space<hbm>>, %arg4: memref<32x5x2048xi32, #tpu.memory_space<hbm>>, %arg5: memref<10240x16xf32, #tpu.memory_space<hbm>>, %arg6: memref<2x10240x16xf32, #tpu.memory_space<hbm>>, %arg7: memref<5x2048xi32, #tpu.memory_space<vmem>>, %arg8: memref<5x2048xi32, #tpu.memory_space<vmem>>, %arg9: memref<2048x16xf32, #tpu.memory_space<vmem>>, %arg10: memref<10000x16xf32, #tpu.memory_space<vmem_shared>>, %arg11: memref<10240x16xf32, #tpu.memory_space<vmem_shared>>, %arg12: memref<!tpu.dma_semaphore, #tpu.memory_space<semaphore_mem>>) attributes {dimension_semantics = [#tpu.dimension_semantics<core_parallel>, #tpu.dimension_semantics<subcore_parallel>], iteration_bounds = array<i64: 2, 16>, scalar_prefetch = 0 : i64, scratch_operands = 6 : i64, tpu.core_type = #tpu.core_type<sc_vector_subcore>, window_params = [{transform_indices = #map}, {transform_indices = #map1}, {transform_indices = #map1}, {transform_indices = #map}, {transform_indices = #map1}]} {
    %mul3A = arith.constant 16 : i32
    %mul3A_0 = arith.muli %arg0, %mul3A : i32
    %add3A = arith.addi %mul3A_0, %arg1 : i32
    %mul3A_1 = arith.constant 625 : i32
    %mul3A_2 = arith.muli %arg1, %mul3A_1 : i32
    %mul3A_3 = arith.constant 625 : i32
    %mul3A_4 = arith.muli %arg1, %mul3A_3 : i32
    "tpu.region"() ({
      %run_scoped3A = tpu.sem_alloc : memref<!tpu.dma_semaphore, #tpu.memory_space<semaphore_mem>>
      %dma_start3A = arith.constant 0 : i32
      %dma_start3A_19 = tpu.memref_slice %arg10[%mul3A_4, %dma_start3A] : memref<10000x16xf32, #tpu.memory_space<vmem_shared>> -> memref<625x16xf32, #tpu.memory_space<vmem_shared>>
      %dma_start3A_20 = arith.constant 0 : i32
      %dma_start3A_21 = tpu.memref_slice %arg2[%mul3A_2, %dma_start3A_20] : memref<10000x16xf32, #tpu.memory_space<hbm>> -> memref<625x16xf32, #tpu.memory_space<hbm>>
      tpu.enqueue_dma source(%dma_start3A_21 : memref<625x16xf32, #tpu.memory_space<hbm>>) target(%dma_start3A_19 : memref<625x16xf32, #tpu.memory_space<vmem_shared>>) target_semaphore(%run_scoped3A : memref<!tpu.dma_semaphore, #tpu.memory_space<semaphore_mem>>)
      %dma_wait3A = arith.constant 0 : i32
      %dma_wait3A_22 = tpu.memref_slice %arg10[%mul3A_4, %dma_wait3A] : memref<10000x16xf32, #tpu.memory_space<vmem_shared>> -> memref<625x16xf32, #tpu.memory_space<vmem_shared>>
      %dma_wait3A_23 = arith.constant 0 : i32
      %dma_wait3A_24 = tpu.memref_slice %arg2[%mul3A_2, %dma_wait3A_23] : memref<10000x16xf32, #tpu.memory_space<hbm>> -> memref<625x16xf32, #tpu.memory_space<hbm>>
      tpu.wait_dma2 semaphore(%run_scoped3A : memref<!tpu.dma_semaphore, #tpu.memory_space<semaphore_mem>>) src(%dma_wait3A_24 : memref<625x16xf32, #tpu.memory_space<hbm>>) dst(%dma_wait3A_22 : memref<625x16xf32, #tpu.memory_space<vmem_shared>>)
      tpu.yield
    }) : () -> ()
    %mul3A_5 = arith.constant 640 : i32
    %mul3A_6 = arith.muli %arg1, %mul3A_5 : i32
    %mul3A_7 = arith.constant 640 : i32
    %mul3A_8 = arith.muli %arg1, %mul3A_7 : i32
    "tpu.region"() ({
      %run_scoped3A = tpu.sem_alloc : memref<!tpu.dma_semaphore, #tpu.memory_space<semaphore_mem>>
      %dma_start3A = arith.constant 0 : i32
      %dma_start3A_19 = tpu.memref_slice %arg11[%mul3A_8, %dma_start3A] : memref<10240x16xf32, #tpu.memory_space<vmem_shared>> -> memref<640x16xf32, #tpu.memory_space<vmem_shared>>
      %dma_start3A_20 = arith.constant 0 : i32
      %dma_start3A_21 = tpu.memref_slice %arg5[%mul3A_6, %dma_start3A_20] : memref<10240x16xf32, #tpu.memory_space<hbm>> -> memref<640x16xf32, #tpu.memory_space<hbm>>
      tpu.enqueue_dma source(%dma_start3A_21 : memref<640x16xf32, #tpu.memory_space<hbm>>) target(%dma_start3A_19 : memref<640x16xf32, #tpu.memory_space<vmem_shared>>) target_semaphore(%run_scoped3A : memref<!tpu.dma_semaphore, #tpu.memory_space<semaphore_mem>>)
      %dma_wait3A = arith.constant 0 : i32
      %dma_wait3A_22 = tpu.memref_slice %arg11[%mul3A_8, %dma_wait3A] : memref<10240x16xf32, #tpu.memory_space<vmem_shared>> -> memref<640x16xf32, #tpu.memory_space<vmem_shared>>
      %dma_wait3A_23 = arith.constant 0 : i32
      %dma_wait3A_24 = tpu.memref_slice %arg5[%mul3A_6, %dma_wait3A_23] : memref<10240x16xf32, #tpu.memory_space<hbm>> -> memref<640x16xf32, #tpu.memory_space<hbm>>
      tpu.wait_dma2 semaphore(%run_scoped3A : memref<!tpu.dma_semaphore, #tpu.memory_space<semaphore_mem>>) src(%dma_wait3A_24 : memref<640x16xf32, #tpu.memory_space<hbm>>) dst(%dma_wait3A_22 : memref<640x16xf32, #tpu.memory_space<vmem_shared>>)
      tpu.yield
    }) : () -> ()
    %barrier3A = arith.constant 0 : index
    tpu.barrier barrier_id(%barrier3A)
    "tpu.region"() ({
      %run_scoped3A = tpu.sem_alloc : memref<!tpu.dma_semaphore, #tpu.memory_space<semaphore_mem>>
      %dma_start3A = arith.constant 0 : i32
      %dma_start3A_19 = arith.constant 0 : i32
      %dma_start3A_20 = tpu.memref_slice %arg3[%add3A, %dma_start3A, %dma_start3A_19] : memref<32x5x2048xi32, #tpu.memory_space<hbm>> -> memref<1x5x2048xi32, #tpu.memory_space<hbm>>
      %dma_start3A_21 = tpu.memref_squeeze %dma_start3A_20 : memref<1x5x2048xi32, #tpu.memory_space<hbm>> -> memref<5x2048xi32, #tpu.memory_space<hbm>>
      %dma_start3A_22 = arith.constant 0 : i32
      %dma_start3A_23 = arith.constant 0 : i32
      %dma_start3A_24 = tpu.memref_slice %arg3[%add3A, %dma_start3A_22, %dma_start3A_23] : memref<32x5x2048xi32, #tpu.memory_space<hbm>> -> memref<1x5x2048xi32, #tpu.memory_space<hbm>>
      %dma_start3A_25 = tpu.memref_squeeze %dma_start3A_24 : memref<1x5x2048xi32, #tpu.memory_space<hbm>> -> memref<5x2048xi32, #tpu.memory_space<hbm>>
      tpu.enqueue_dma source(%dma_start3A_25 : memref<5x2048xi32, #tpu.memory_space<hbm>>) target(%arg7 : memref<5x2048xi32, #tpu.memory_space<vmem>>) target_semaphore(%run_scoped3A : memref<!tpu.dma_semaphore, #tpu.memory_space<semaphore_mem>>)
      %dma_wait3A = arith.constant 0 : i32
      %dma_wait3A_26 = arith.constant 0 : i32
      %dma_wait3A_27 = tpu.memref_slice %arg3[%add3A, %dma_wait3A, %dma_wait3A_26] : memref<32x5x2048xi32, #tpu.memory_space<hbm>> -> memref<1x5x2048xi32, #tpu.memory_space<hbm>>
      %dma_wait3A_28 = tpu.memref_squeeze %dma_wait3A_27 : memref<1x5x2048xi32, #tpu.memory_space<hbm>> -> memref<5x2048xi32, #tpu.memory_space<hbm>>
      %dma_wait3A_29 = arith.constant 0 : i32
      %dma_wait3A_30 = arith.constant 0 : i32
      %dma_wait3A_31 = tpu.memref_slice %arg3[%add3A, %dma_wait3A_29, %dma_wait3A_30] : memref<32x5x2048xi32, #tpu.memory_space<hbm>> -> memref<1x5x2048xi32, #tpu.memory_space<hbm>>
      %dma_wait3A_32 = tpu.memref_squeeze %dma_wait3A_31 : memref<1x5x2048xi32, #tpu.memory_space<hbm>> -> memref<5x2048xi32, #tpu.memory_space<hbm>>
      tpu.wait_dma2 semaphore(%run_scoped3A : memref<!tpu.dma_semaphore, #tpu.memory_space<semaphore_mem>>) src(%dma_wait3A_32 : memref<5x2048xi32, #tpu.memory_space<hbm>>) dst(%arg7 : memref<5x2048xi32, #tpu.memory_space<vmem>>)
      tpu.yield
    }) : () -> ()
    "tpu.region"() ({
      %run_scoped3A = tpu.sem_alloc : memref<!tpu.dma_semaphore, #tpu.memory_space<semaphore_mem>>
      %dma_start3A = arith.constant 0 : i32
      %dma_start3A_19 = arith.constant 0 : i32
      %dma_start3A_20 = tpu.memref_slice %arg4[%add3A, %dma_start3A, %dma_start3A_19] : memref<32x5x2048xi32, #tpu.memory_space<hbm>> -> memref<1x5x2048xi32, #tpu.memory_space<hbm>>
      %dma_start3A_21 = tpu.memref_squeeze %dma_start3A_20 : memref<1x5x2048xi32, #tpu.memory_space<hbm>> -> memref<5x2048xi32, #tpu.memory_space<hbm>>
      %dma_start3A_22 = arith.constant 0 : i32
      %dma_start3A_23 = arith.constant 0 : i32
      %dma_start3A_24 = tpu.memref_slice %arg4[%add3A, %dma_start3A_22, %dma_start3A_23] : memref<32x5x2048xi32, #tpu.memory_space<hbm>> -> memref<1x5x2048xi32, #tpu.memory_space<hbm>>
      %dma_start3A_25 = tpu.memref_squeeze %dma_start3A_24 : memref<1x5x2048xi32, #tpu.memory_space<hbm>> -> memref<5x2048xi32, #tpu.memory_space<hbm>>
      tpu.enqueue_dma source(%dma_start3A_25 : memref<5x2048xi32, #tpu.memory_space<hbm>>) target(%arg8 : memref<5x2048xi32, #tpu.memory_space<vmem>>) target_semaphore(%run_scoped3A : memref<!tpu.dma_semaphore, #tpu.memory_space<semaphore_mem>>)
      %dma_wait3A = arith.constant 0 : i32
      %dma_wait3A_26 = arith.constant 0 : i32
      %dma_wait3A_27 = tpu.memref_slice %arg4[%add3A, %dma_wait3A, %dma_wait3A_26] : memref<32x5x2048xi32, #tpu.memory_space<hbm>> -> memref<1x5x2048xi32, #tpu.memory_space<hbm>>
      %dma_wait3A_28 = tpu.memref_squeeze %dma_wait3A_27 : memref<1x5x2048xi32, #tpu.memory_space<hbm>> -> memref<5x2048xi32, #tpu.memory_space<hbm>>
      %dma_wait3A_29 = arith.constant 0 : i32
      %dma_wait3A_30 = arith.constant 0 : i32
      %dma_wait3A_31 = tpu.memref_slice %arg4[%add3A, %dma_wait3A_29, %dma_wait3A_30] : memref<32x5x2048xi32, #tpu.memory_space<hbm>> -> memref<1x5x2048xi32, #tpu.memory_space<hbm>>
      %dma_wait3A_32 = tpu.memref_squeeze %dma_wait3A_31 : memref<1x5x2048xi32, #tpu.memory_space<hbm>> -> memref<5x2048xi32, #tpu.memory_space<hbm>>
      tpu.wait_dma2 semaphore(%run_scoped3A : memref<!tpu.dma_semaphore, #tpu.memory_space<semaphore_mem>>) src(%dma_wait3A_32 : memref<5x2048xi32, #tpu.memory_space<hbm>>) dst(%arg8 : memref<5x2048xi32, #tpu.memory_space<vmem>>)
      tpu.yield
    }) : () -> ()
    %scan3A = arith.constant 0 : i32
    %scan3A_9 = arith.constant 0 : i32
    %scan3A_10 = arith.constant 5 : i32
    %scan3A_11 = arith.addi %scan3A_9, %scan3A_10 : i32
    %scan3A_12 = arith.constant 1 : i32
    scf.for %scan3A_19 = %scan3A_9 to %scan3A_11 step %scan3A_12  : i32 {
      %dma_start3A = arith.constant 0 : i32
      %dma_start3A_20 = tpu.memref_slice %arg7[%scan3A_19, %dma_start3A] : memref<5x2048xi32, #tpu.memory_space<vmem>> -> memref<1x2048xi32, #tpu.memory_space<vmem>>
      %dma_start3A_21 = tpu.memref_squeeze %dma_start3A_20 : memref<1x2048xi32, #tpu.memory_space<vmem>> -> memref<2048xi32, #tpu.memory_space<vmem>>
      %dma_start3A_22 = arith.constant 0 : i32
      %dma_start3A_23 = arith.constant 0 : i32
      %dma_start3A_24 = tpu.memref_slice %arg10[%dma_start3A_22, %dma_start3A_23] : memref<10000x16xf32, #tpu.memory_space<vmem_shared>> -> memref<10000x16xf32, #tpu.memory_space<vmem_shared>>
      tpu.enqueue_indirect_dma source(%dma_start3A_24 : memref<10000x16xf32, #tpu.memory_space<vmem_shared>>) target(%arg9 : memref<2048x16xf32, #tpu.memory_space<vmem>>) offsets(%dma_start3A_21 : memref<2048xi32, #tpu.memory_space<vmem>>) semaphore(%arg12 : memref<!tpu.dma_semaphore, #tpu.memory_space<semaphore_mem>>)
      %dma_wait3A = arith.constant 0 : i32
      %dma_wait3A_25 = tpu.memref_slice %arg7[%scan3A_19, %dma_wait3A] : memref<5x2048xi32, #tpu.memory_space<vmem>> -> memref<1x2048xi32, #tpu.memory_space<vmem>>
      %dma_wait3A_26 = tpu.memref_squeeze %dma_wait3A_25 : memref<1x2048xi32, #tpu.memory_space<vmem>> -> memref<2048xi32, #tpu.memory_space<vmem>>
      %dma_wait3A_27 = arith.constant 0 : i32
      %dma_wait3A_28 = arith.constant 0 : i32
      %dma_wait3A_29 = tpu.memref_slice %arg10[%dma_wait3A_27, %dma_wait3A_28] : memref<10000x16xf32, #tpu.memory_space<vmem_shared>> -> memref<10000x16xf32, #tpu.memory_space<vmem_shared>>
      tpu.wait_indirect_dma semaphore(%arg12 : memref<!tpu.dma_semaphore, #tpu.memory_space<semaphore_mem>>) src(%dma_wait3A_29 : memref<10000x16xf32, #tpu.memory_space<vmem_shared>>) dst(%arg9 : memref<2048x16xf32, #tpu.memory_space<vmem>>)
      "tpu.region"() ({
        %run_scoped3A = tpu.sem_alloc : memref<!tpu.dma_semaphore, #tpu.memory_space<semaphore_mem>>
        %dma_start3A_30 = arith.constant 0 : i32
        %dma_start3A_31 = tpu.memref_slice %arg8[%scan3A_19, %dma_start3A_30] : memref<5x2048xi32, #tpu.memory_space<vmem>> -> memref<1x2048xi32, #tpu.memory_space<vmem>>
        %dma_start3A_32 = tpu.memref_squeeze %dma_start3A_31 : memref<1x2048xi32, #tpu.memory_space<vmem>> -> memref<2048xi32, #tpu.memory_space<vmem>>
        %dma_start3A_33 = arith.constant 0 : i32
        %dma_start3A_34 = arith.constant 0 : i32
        %dma_start3A_35 = tpu.memref_slice %arg11[%dma_start3A_33, %dma_start3A_34] : memref<10240x16xf32, #tpu.memory_space<vmem_shared>> -> memref<10240x16xf32, #tpu.memory_space<vmem_shared>>
        tpu.enqueue_indirect_dma source(%arg9 : memref<2048x16xf32, #tpu.memory_space<vmem>>) target(%dma_start3A_35 : memref<10240x16xf32, #tpu.memory_space<vmem_shared>>) offsets(%dma_start3A_32 : memref<2048xi32, #tpu.memory_space<vmem>>) semaphore(%run_scoped3A : memref<!tpu.dma_semaphore, #tpu.memory_space<semaphore_mem>>) {add = true}
        %dma_wait3A_36 = arith.constant 0 : i32
        %dma_wait3A_37 = tpu.memref_slice %arg8[%scan3A_19, %dma_wait3A_36] : memref<5x2048xi32, #tpu.memory_space<vmem>> -> memref<1x2048xi32, #tpu.memory_space<vmem>>
        %dma_wait3A_38 = tpu.memref_squeeze %dma_wait3A_37 : memref<1x2048xi32, #tpu.memory_space<vmem>> -> memref<2048xi32, #tpu.memory_space<vmem>>
        %dma_wait3A_39 = arith.constant 0 : i32
        %dma_wait3A_40 = arith.constant 0 : i32
        %dma_wait3A_41 = tpu.memref_slice %arg11[%dma_wait3A_39, %dma_wait3A_40] : memref<10240x16xf32, #tpu.memory_space<vmem_shared>> -> memref<10240x16xf32, #tpu.memory_space<vmem_shared>>
        tpu.wait_indirect_dma semaphore(%run_scoped3A : memref<!tpu.dma_semaphore, #tpu.memory_space<semaphore_mem>>) src(%arg9 : memref<2048x16xf32, #tpu.memory_space<vmem>>) dst(%dma_wait3A_41 : memref<10240x16xf32, #tpu.memory_space<vmem_shared>>)
        tpu.yield
      }) : () -> ()
    }
    %scan3A_13 = arith.constant 5 : i32
    %barrier3A_14 = arith.constant 0 : index
    tpu.barrier barrier_id(%barrier3A_14)
    %mul3A_15 = arith.constant 640 : i32
    %mul3A_16 = arith.muli %arg1, %mul3A_15 : i32
    %mul3A_17 = arith.constant 640 : i32
    %mul3A_18 = arith.muli %arg1, %mul3A_17 : i32
    "tpu.region"() ({
      %run_scoped3A = tpu.sem_alloc : memref<!tpu.dma_semaphore, #tpu.memory_space<semaphore_mem>>
      %dma_start3A = arith.constant 0 : i32
      %dma_start3A_19 = tpu.memref_slice %arg6[%arg0, %mul3A_18, %dma_start3A] : memref<2x10240x16xf32, #tpu.memory_space<hbm>> -> memref<1x640x16xf32, #tpu.memory_space<hbm>>
      %dma_start3A_20 = tpu.memref_squeeze %dma_start3A_19 : memref<1x640x16xf32, #tpu.memory_space<hbm>> -> memref<640x16xf32, #tpu.memory_space<hbm>>
      %dma_start3A_21 = arith.constant 0 : i32
      %dma_start3A_22 = tpu.memref_slice %arg11[%mul3A_16, %dma_start3A_21] : memref<10240x16xf32, #tpu.memory_space<vmem_shared>> -> memref<640x16xf32, #tpu.memory_space<vmem_shared>>
      tpu.enqueue_dma source(%dma_start3A_22 : memref<640x16xf32, #tpu.memory_space<vmem_shared>>) target(%dma_start3A_20 : memref<640x16xf32, #tpu.memory_space<hbm>>) target_semaphore(%run_scoped3A : memref<!tpu.dma_semaphore, #tpu.memory_space<semaphore_mem>>)
      %dma_wait3A = arith.constant 0 : i32
      %dma_wait3A_23 = tpu.memref_slice %arg6[%arg0, %mul3A_18, %dma_wait3A] : memref<2x10240x16xf32, #tpu.memory_space<hbm>> -> memref<1x640x16xf32, #tpu.memory_space<hbm>>
      %dma_wait3A_24 = tpu.memref_squeeze %dma_wait3A_23 : memref<1x640x16xf32, #tpu.memory_space<hbm>> -> memref<640x16xf32, #tpu.memory_space<hbm>>
      %dma_wait3A_25 = arith.constant 0 : i32
      %dma_wait3A_26 = tpu.memref_slice %arg11[%mul3A_16, %dma_wait3A_25] : memref<10240x16xf32, #tpu.memory_space<vmem_shared>> -> memref<640x16xf32, #tpu.memory_space<vmem_shared>>
      tpu.wait_dma2 semaphore(%run_scoped3A : memref<!tpu.dma_semaphore, #tpu.memory_space<semaphore_mem>>) src(%dma_wait3A_26 : memref<640x16xf32, #tpu.memory_space<vmem_shared>>) dst(%dma_wait3A_24 : memref<640x16xf32, #tpu.memory_space<hbm>>)
      tpu.yield
    }) : () -> ()
    return
  }
}

module attributes {stable_mosaic.version = 14 : i64} {
  func.func @_mm1_body(%arg0: i32, %arg1: memref<1000x128xf32, #tpu.memory_space<vmem>>, %arg2: memref<128x16xf32, #tpu.memory_space<vmem>>, %arg3: memref<1000x16xf32, #tpu.memory_space<vmem>>) attributes {dimension_semantics = [#tpu.dimension_semantics<arbitrary>], iteration_bounds = array<i64: 10>, scalar_prefetch = 0 : i64, scratch_operands = 0 : i64, tpu.core_type = #tpu.core_type<tc>, window_params = [{transform_indices = @transform_0, window_bounds = array<i64: 1000, 128>}, {pipeline_mode = #tpu.pipeline_mode<synchronous>, transform_indices = @transform_1, window_bounds = array<i64: 128, 16>}, {transform_indices = @transform_2, window_bounds = array<i64: 1000, 16>}]} {
    %get3A = arith.constant 0 : index
    %get3A_0 = arith.constant 0 : index
    %get3A_1 = vector.load %arg1[%get3A, %get3A_0] : memref<1000x128xf32, #tpu.memory_space<vmem>>, vector<1000x128xf32>
    %get3A_2 = arith.constant 0 : index
    %get3A_3 = arith.constant 0 : index
    %get3A_4 = vector.load %arg2[%get3A_2, %get3A_3] : memref<128x16xf32, #tpu.memory_space<vmem>>, vector<128x16xf32>
    %dot_general3A = arith.constant dense<0.000000e+00> : vector<1000x16xf32>
    %dot_general3A_5 = tpu.matmul %get3A_1, %get3A_4, %dot_general3A {dimension_numbers = #tpu.dot_dimension_numbers<[1], [0], [0], [1], [0, 0, 1, 1], [], []>, transpose_lhs_hint = false} : vector<1000x128xf32>, vector<128x16xf32>, vector<1000x16xf32> -> vector<1000x16xf32>
    %swap3A = arith.constant 0 : index
    %swap3A_6 = arith.constant 0 : index
    %swap3A_7 = vector.load %arg3[%swap3A, %swap3A_6] : memref<1000x16xf32, #tpu.memory_space<vmem>>, vector<1000x16xf32>
    tpu.vector_store %arg3[%swap3A, %swap3A_6], %dot_general3A_5 {strides = array<i32>} : memref<1000x16xf32, #tpu.memory_space<vmem>>, vector<1000x16xf32>,
    return
  }
  func.func @transform_0(%arg0: i32) -> (i32, i32) {
    %c0_i32 = arith.constant 0 : i32
    %c0_i32_0 = arith.constant 0 : i32
    return %arg0, %c0_i32 : i32, i32
  }
  func.func @transform_1(%arg0: i32) -> (i32, i32) {
    %c0_i32 = arith.constant 0 : i32
    %c0_i32_0 = arith.constant 0 : i32
    %c0_i32_1 = arith.constant 0 : i32
    return %c0_i32, %c0_i32_0 : i32, i32
  }
  func.func @transform_2(%arg0: i32) -> (i32, i32) {
    %c0_i32 = arith.constant 0 : i32
    %c0_i32_0 = arith.constant 0 : i32
    return %arg0, %c0_i32 : i32, i32
  }
}

module attributes {stable_mosaic.version = 14 : i64} {
  func.func @_mm2_body(%arg0: i32, %arg1: memref<2x1000x16xf32, #tpu.memory_space<vmem>>, %arg2: memref<16x128xf32, #tpu.memory_space<vmem>>, %arg3: memref<1x128xf32, #tpu.memory_space<vmem>>, %arg4: memref<1000x128xf32, #tpu.memory_space<vmem>>) attributes {dimension_semantics = [#tpu.dimension_semantics<arbitrary>], iteration_bounds = array<i64: 10>, scalar_prefetch = 0 : i64, scratch_operands = 0 : i64, tpu.core_type = #tpu.core_type<tc>, window_params = [{transform_indices = @transform_0, window_bounds = array<i64: 2, 1000, 16>}, {pipeline_mode = #tpu.pipeline_mode<synchronous>, transform_indices = @transform_1, window_bounds = array<i64: 16, 128>}, {pipeline_mode = #tpu.pipeline_mode<synchronous>, transform_indices = @transform_2, window_bounds = array<i64: 1, 128>}, {transform_indices = @transform_3, window_bounds = array<i64: 1000, 128>}]} {
    %get3A = arith.constant 0 : index
    %get3A_0 = arith.constant 0 : index
    %get3A_1 = arith.constant 0 : index
    %get3A_2 = vector.load %arg1[%get3A, %get3A_0, %get3A_1] : memref<2x1000x16xf32, #tpu.memory_space<vmem>>, vector<1x1000x16xf32>
    %get3A_3 = vector.shape_cast %get3A_2 : vector<1x1000x16xf32> to vector<1000x16xf32>
    %get3A_4 = arith.constant 1 : index
    %get3A_5 = arith.constant 0 : index
    %get3A_6 = arith.constant 0 : index
    %get3A_7 = vector.load %arg1[%get3A_4, %get3A_5, %get3A_6] : memref<2x1000x16xf32, #tpu.memory_space<vmem>>, vector<1x1000x16xf32>
    %get3A_8 = vector.shape_cast %get3A_7 : vector<1x1000x16xf32> to vector<1000x16xf32>
    %add3A = arith.addf %get3A_3, %get3A_8 : vector<1000x16xf32>
    %get3A_9 = arith.constant 0 : index
    %get3A_10 = arith.constant 0 : index
    %get3A_11 = vector.load %arg2[%get3A_9, %get3A_10] : memref<16x128xf32, #tpu.memory_space<vmem>>, vector<16x128xf32>
    %dot_general3A = arith.constant dense<0.000000e+00> : vector<1000x128xf32>
    %dot_general3A_12 = tpu.matmul %add3A, %get3A_11, %dot_general3A {dimension_numbers = #tpu.dot_dimension_numbers<[1], [0], [0], [1], [0, 0, 1, 1], [], []>, transpose_lhs_hint = false} : vector<1000x16xf32>, vector<16x128xf32>, vector<1000x128xf32> -> vector<1000x128xf32>
    %get3A_13 = arith.constant 0 : index
    %get3A_14 = arith.constant 0 : index
    %get3A_15 = vector.load %arg3[%get3A_13, %get3A_14] : memref<1x128xf32, #tpu.memory_space<vmem>>, vector<1x128xf32>
    %add3A_16 = vector.broadcast %get3A_15 : vector<1x128xf32> to vector<1000x128xf32>
    %add3A_17 = arith.addf %dot_general3A_12, %add3A_16 : vector<1000x128xf32>
    %swap3A = arith.constant 0 : index
    %swap3A_18 = arith.constant 0 : index
    %swap3A_19 = vector.load %arg4[%swap3A, %swap3A_18] : memref<1000x128xf32, #tpu.memory_space<vmem>>, vector<1000x128xf32>
    tpu.vector_store %arg4[%swap3A, %swap3A_18], %add3A_17 {strides = array<i32>} : memref<1000x128xf32, #tpu.memory_space<vmem>>, vector<1000x128xf32>,
    return
  }
  func.func @transform_0(%arg0: i32) -> (i32, i32, i32) {
    %c0_i32 = arith.constant 0 : i32
    %c0_i32_0 = arith.constant 0 : i32
    %c0_i32_1 = arith.constant 0 : i32
    return %c0_i32, %arg0, %c0_i32_0 : i32, i32, i32
  }
  func.func @transform_1(%arg0: i32) -> (i32, i32) {
    %c0_i32 = arith.constant 0 : i32
    %c0_i32_0 = arith.constant 0 : i32
    %c0_i32_1 = arith.constant 0 : i32
    return %c0_i32, %c0_i32_0 : i32, i32
  }
  func.func @transform_2(%arg0: i32) -> (i32, i32) {
    %c0_i32 = arith.constant 0 : i32
    %c0_i32_0 = arith.constant 0 : i32
    %c0_i32_1 = arith.constant 0 : i32
    return %c0_i32, %c0_i32_0 : i32, i32
  }
  func.func @transform_3(%arg0: i32) -> (i32, i32) {
    %c0_i32 = arith.constant 0 : i32
    %c0_i32_0 = arith.constant 0 : i32
    return %arg0, %c0_i32 : i32, i32
  }
}

</mosaic_0001>

<sc_bundles>
// kernel: kernel.6.cloned.1.call-start
scs
__scs_entry_jumppad:
0x0: {  	(pc) =	sbr.rel $0x88, $3  }
0x1: {  	(tag) =	ssettag $0x0;
	lr =	simm.s32 $0x1  }
0x2: {  	[smem:$0x3F9B] =	sst lr;
	_ =	strace $0xD0000000  }
0x3: {  	_ = 	snop  }
0x4: {  	_ = 	snop  }
0x5: {  	_ = 	snop  }
0x6: {  	_ = 	snop  }
0x7: {  	_ = 	snop  }
__scs_overlays_trampoline_lowered:
0x8: {  	[smem:$0x3FAA] =	sst s0  }
0x9: {  	[smem:$0x3FAB] =	sst s1  }
0xa: {  	[smem:$0x3FAC] =	sst s2  }
0xb: {  	[smem:$0x3FAD] =	sst s3  }
0xc: {  	[smem:$0x3FAE] =	sst s4  }
0xd: {  	[smem:$0x3FAF] =	sst s5  }
0xe: {  	[smem:$0x3FB0] =	sst s6  }
0xf: {  	[smem:$0x3FB1] =	sst s7  }
0x10: {  	[smem:$0x3FB2] =	sst s8  }
0x11: {  	[smem:$0x3FB3] =	sst s9;
	s0 =	simm.s32 @!p0 $0x0  }
0x12: {  	s1 =	sld [smem:$0x3F99];
	s0 =	simm.s32 @p0 $0x1  }
0x13: {  	[smem:$0x3FB4] =	sst s0;
	s0 =	simm.s32 @!p1 $0x0  }
0x14: {  	s2 =	sld [smem:$0x3F98];
	s0 =	simm.s32 @p1 $0x1  }
0x15: {  	[smem:$0x3FB5] =	sst s0;
	s0 =	simm.s32 @!p2 $0x0  }
0x16: {  	s3 =	sld [smem:$0x3FDB];
	s0 =	simm.s32 @p2 $0x1  }
0x17: {  	s4 =	simm.s32 $0x1BF5;
	[smem:$0x3FB7] =	sst s0  }
0x18: {  	s0 =	sld [smem:$0x3F9A];
	_ =	swait.ge [sflag:s4], $0x0  }
0x19: {  	s7 =	sld [smem:$0x3F9B]  }
0x1a: {  	s8 =	sadd.s32 $0xFFFFE003, lr  }
0x1b: {  	s9 =	sadd.s32 $0xFFFFFEF7, lr;
	s5 =	simm.s32 $0xFFFFFFFF;
	p2 =	slt.u32 s8, $0xFFFFF086  }
0x1c: {  	p1 =	slt.u32 s9, $0xF7A;
	s5 =	simm.s32 @!p2 $0x0  }
0x1d: {  	s5 =	simm.s32 @p1 $0x1;
	p0 =	seq.s32 s7, s2  }
0x1e: {  	s7 =	smul.u32 @!p0 $0xF7A, s2;
	p2 =	seq.s32 @!p0 s5, $0x0  }
0x1f: {  	s9 =	smul.u32 $0xF7A, s1;
	s8 =	simm.s32 @!p0 $0x1BF5;
	p2 =	por !p2, p0  }
0x20: {  	[sflag:s8] =	ssyncset.s32 @!p0 $0xFFFFF086;
	s6 =	sadd.s32 @!p0 s3, s7;
	s7 =	simm.s32 @!p0 $0x108  }
0x21: {  	s3 =	sadd.s32 s3, s9;
	s6 =	sadd.s32 @!p0 $0x88, s6;
	s7 =	simm.s32 @p2 $0x1082  }
0x22: {  	[simem:s7], [sflag:s8] =	dma.local @!p0 [hbm:s6], $0xF7A  }
0x23: {  	s9 =	sor.u32 $0xD0000000, s2;
	s6 =	simm.s32 $0x108;
	_ =	swait.ge @!p0 [sflag:s8], $0x0  }
0x24: {  	s3 =	sadd.s32 $0x88, s3;
	s6 =	simm.s32 @!p1 $0x1082;
	[sflag:s4] =	ssyncset.s32 $0xFFFFF086  }
0x25: {  	[simem:s6], [sflag:s4] =	dma.local [hbm:s3], $0xF7A  }
0x26: {  	[smem:$0x3F9B] =	sst s1;
	(tag) =	ssettag s2;
	_ =	strace s9  }
0x27: {  	s1 =	sld [smem:$0x3FAB]  }
0x28: {  	s2 =	sld [smem:$0x3FAC]  }
0x29: {  	s4 =	sld [smem:$0x3FAE]  }
0x2a: {  	p0 =	seq.s32 s5, $0x0;
	s5 =	sld [smem:$0x3FAF]  }
0x2b: {  	s6 =	sld [smem:$0x3FB0]  }
0x2c: {  	s7 =	sld [smem:$0x3FB1]  }
0x2d: {  	s3 =	simm.s32 $0x108;
	s8 =	sld [smem:$0x3FB2]  }
0x2e: {  	s3 =	simm.s32 @!p0 $0x1082;
	s9 =	sld [smem:$0x3FB3]  }
0x2f: {  	lr =	sadd.s32 s0, s3;
	s0 =	sld [smem:$0x3FAA]  }
0x30: {  	s3 =	sld [smem:$0x3FAD]  }
0x31: {  	[smem:$0x3FB6] =	sst s10  }
0x32: {  	s10 =	sld [smem:$0x3FB4];
	_ =	sdelay $0x3  }
0x33: {  	p0 =	seq.s32 s10, $0x1;
	s10 =	sld [smem:$0x3FB6];
	_ =	sdelay $0x3  }
0x34: {  	[smem:$0x3FB6] =	sst s10  }
0x35: {  	s10 =	sld [smem:$0x3FB5];
	_ =	sdelay $0x3  }
0x36: {  	p1 =	seq.s32 s10, $0x1;
	s10 =	sld [smem:$0x3FB6];
	_ =	sdelay $0x3  }
0x37: {  	[smem:$0x3FB6] =	sst s10  }
0x38: {  	s10 =	sld [smem:$0x3FB7]  }
0x39: {  	_ = 	snop;
	(pc) =	sbr.ind lr, $3  }
0x3a: {  	_ = 	snop  }
0x3b: {  	_ = 	snop  }
0x3c: {  	p2 =	seq.s32 s10, $0x1;
	s10 =	sld [smem:$0x3FB6]  }
0x3d: {  	_ =	shalt  }
0x3e: {  	_ =	shalt  }
0x3f: {  	_ =	shalt  }
0x40: {  	_ =	shalt  }
0x41: {  	_ =	shalt  }
0x42: {  	_ =	shalt  }
0x43: {  	_ =	shalt  }
0x44: {  	_ =	shalt  }
0x45: {  	_ =	shalt  }
0x46: {  	_ =	shalt  }
0x47: {  	_ =	shalt  }
0x48: {  	_ =	shalt  }
0x49: {  	_ =	shalt  }
0x4a: {  	_ =	shalt  }
0x4b: {  	_ =	shalt  }
0x4c: {  	_ =	shalt  }
0x4d: {  	_ =	shalt  }
0x4e: {  	_ =	shalt  }
0x4f: {  	_ =	shalt  }
0x50: {  	_ =	shalt  }
0x51: {  	_ =	shalt  }
0x52: {  	_ =	shalt  }
0x53: {  	_ =	shalt  }
0x54: {  	_ =	shalt  }
0x55: {  	_ =	shalt  }
0x56: {  	_ =	shalt  }
0x57: {  	_ =	shalt  }
0x58: {  	_ =	shalt  }
0x59: {  	_ =	shalt  }
0x5a: {  	_ =	shalt  }
0x5b: {  	_ =	shalt  }
0x5c: {  	_ =	shalt  }
0x5d: {  	_ =	shalt  }
0x5e: {  	_ =	shalt  }
0x5f: {  	_ =	shalt  }
0x60: {  	_ =	shalt  }
0x61: {  	_ =	shalt  }
0x62: {  	_ =	shalt  }
0x63: {  	_ =	shalt  }
0x64: {  	_ =	shalt  }
0x65: {  	_ =	shalt  }
0x66: {  	_ =	shalt  }
0x67: {  	_ =	shalt  }
0x68: {  	_ =	shalt  }
0x69: {  	_ =	shalt  }
0x6a: {  	_ =	shalt  }
0x6b: {  	_ =	shalt  }
0x6c: {  	_ =	shalt  }
0x6d: {  	_ =	shalt  }
0x6e: {  	_ =	shalt  }
0x6f: {  	_ =	shalt  }
0x70: {  	_ =	shalt  }
0x71: {  	_ =	shalt  }
0x72: {  	_ =	shalt  }
0x73: {  	_ =	shalt  }
0x74: {  	_ =	shalt  }
0x75: {  	_ =	shalt  }
0x76: {  	_ =	shalt  }
0x77: {  	_ =	shalt  }
0x78: {  	_ =	shalt  }
0x79: {  	_ =	shalt  }
0x7a: {  	_ =	shalt  }
0x7b: {  	_ =	shalt  }
0x7c: {  	_ =	shalt  }
0x7d: {  	_ =	shalt  }
0x7e: {  	_ =	shalt  }
0x7f: {  	_ =	shalt  }
0x80: {  	_ =	shalt  }
0x81: {  	_ =	shalt  }
0x82: {  	_ =	shalt  }
0x83: {  	_ =	shalt  }
0x84: {  	_ =	shalt  }
0x85: {  	_ =	shalt  }
0x86: {  	_ =	shalt  }
0x87: {  	_ =	shalt  }
.Lfunc_end0:
.L_simem_size_0:
called_computation_lowered:
.L_overlay_start_0:
0x88: {  	s2 =	sld [smem:$0x3FD9]  }
0x89: {  	s3 =	sld [smem:$0x3FFE];
	_ =	sdelay $0x1  }
0x8a: {  	s1 =	srdreg.scid  }
0x8b: {  	s0 =	sand.u32 $0x1, s1  }
0x8c: {  	s17 =	sshll.u32 s0, $0xA;
	s2 =	sadd.s32 s3, s2  }
0x8d: {  	s2 =	sadd.s32 s2, s17  }
0x8e: {  	[smem:$0x3FC2] =	sst s2  }
0x8f: {  	_ = 	snop  }
0x90: {  	s2 =	sld [smem:$0x3FD0];
	(tm) =	ssettm $0x1  }
0x91: {  	s18 =	sld [smem:$0x3FFB];
	_ =	sdelay $0x3  }
0x92: {  	_ =	strace s18  }
0x93: {  	s3 =	sld [smem:$0x3FFC];
	_ =	sdelay $0x3  }
0x94: {  	_ =	strace s3  }
0x95: {  	s3 =	sld [smem:$0x3FFD];
	_ =	sdelay $0x3  }
0x96: {  	_ =	strace s3  }
0x97: {  	_ =	strace $0x8FFFFFFF  }
0x98: {  	s19 =	sld [smem:$0x3FDB];
	_ =	sdelay $0x1  }
0x99: {  	s4 =	simm.s32 $_scs_section_size  }
0x9a: {  	s5 =	simm.s32 $_size__tile_overlayer_lowered;
	s6 =	simm.s32 $_tile_overlayer_lowered  }
0x9b: {  	s22 =	simm.s32 $0x1BFF;
	s21 =	sshll.u32 s6, $0x1;
	s3 =	sadd.s32 s4, s19  }
0x9c: {  	s7 =	simm.s32 $0x0;
	s20 =	sshll.u32 s5, $0x1;
	s5 =	sadd.s32 s21, s3  }
0x9d: {  	[timem:s7], [sflag:s22] =	dma.local [hbm:s5], s20  }
0x9e: {  	_ =	swait.ge [sflag:s22], s20  }
0x9f: {  	s4 =	ssub.s32 $0x0, s20;
	[sflag:s22] =	ssyncset.done $0x0  }
0xa0: {  	[sflag:s22] =	ssyncadd.s32 s4;
	_ =	sdelay $0x1  }
0xa1: {  	s23 =	simm.s32 $0x1B8B  }
0xa2: {  	_ =	swait.ge [sflag:s23], $0x1  }
0xa3: {  	[sflag:s23] =	ssyncset.done $0x0  }
0xa4: {  	s25 =	simm.s32 $0x1B8E;
	s24 =	sld [smem:$0x3FFE];
	[sflag:s23] =	ssyncadd.s32 $0xFFFFFFFF  }
0xa5: {  	s26 =	simm.s32 $execute0_lowered;
	[smem:$0x3FD2] =	sst s25  }
0xa6: {  	s5 =	sshll.u32 s26, $0x1;
	_ =	strace $0x80000046;
	[dreg:$0x1] =	wrdreg $0xFFFFFFFF  }
0xa7: {  	s28 =	simm.s32 $_size_execute0_lowered;
	s3 =	sadd.s32 s3, s5;
	[dreg:$0x0] =	wrdreg $0x0  }
0xa8: {  	s5 =	sshll.u32 s28, $0x1;
	[dreg:$0x2] =	wrdreg s3  }
0xa9: {  	[dreg:$0x3] =	wrdreg s5  }
0xaa: {  	[dreg:$0x4] =	wrdreg $0xC0  }
0xab: {  	_ =	task [dreg:s7], $0x5FFFF  }
0xac: {  	[dreg:$0x1] =	wrdreg $0xFFFFFFFF  }
0xad: {  	[dreg:$0x0] =	wrdreg $0x60  }
0xae: {  	[dreg:$0x2] =	wrdreg s24  }
0xaf: {  	[dreg:$0x3] =	wrdreg s2  }
0xb0: {  	[dreg:$0x4] =	wrdreg $0xD0000  }
0xb1: {  	[dreg:$0x5] =	wrdreg $0xF7100  }
0xb2: {  	[dreg:$0x6] =	wrdreg $0x9  }
0xb3: {  	_ =	task.clear_ibuf [dreg:s7], $0x7FFFF;
	_ =	strace $0x90000046  }
0xb4: {  	s29 =	simm.s32 $0x9;
	_ =	strace $0x80000048  }
0xb5: {  	_ =	swait.ge [sflag:s29], $0x1  }
0xb6: {  	[sflag:s29] =	ssyncadd.s32 $0xFFFFFFFF  }
0xb7: {  	_ =	strace $0x90000048  }
0xb8: {  	_ =	sfence  }
0xb9: {  	s30 =	sld [smem:$0x0];
	_ =	sdelay $0x2  }
0xba: {  	s31 =	sshll.u32 s1, $0xD;
	s1 =	sshrl.u32 s1, $0x2  }
0xbb: {  	s3 =	sand.u32 $0x4000, s31;
	s1 =	sadd.s32 s1, s30  }
0xbc: {  	s0 =	sor.u32 s3, s0;
	s1 =	sshll.u32 s1, $0x11  }
0xbd: {  	s0 =	sor.u32 s1, s0  }
0xbe: {  	s0 =	sadd.s32 $0x8F2B, s0  }
0xbf: {  	[sflag:s0] =	ssyncadd.remote.s32 $0x1  }
0xc0: {  	_ =	sfence.sel $0xFFFF  }
0xc1: {  	[dreg:$0x0] =	wrdreg $0xFFFFFFFF;
	(pc) =	sbr.abs _section_cstart, $3  }
0xc2: {  	[dreg:$0x1] =	wrdreg $0xFFFFFFFF  }
0xc3: {  	_ =	task.clear_ibuf [dreg:s7], $0x2FFFF;
	_ =	strace $0x9FFFFFFF  }
0xc4: {  	(tm) =	ssettm $0x7FFFFFFF  }
0xc5: {  	_ =	shalt  }
tec
execute0_lowered:
.L_overlay_start_1:
0x0: {  	(tag) =	ssettag $0x1  }
0x1: {  	s24 =	rddreg [dreg:$0x0]  }
0x2: {  	s11 =	rddreg [dreg:$0x1]  }
0x3: {  	s2 =	rddreg [dreg:$0x2]  }
0x4: {  	s3 =	rddreg [dreg:$0x3]  }
0x5: {  	s1 =	stileid.u32;
	s0 =	rddreg [dreg:$0x4]  }
0x6: {  	s4 =	simm.s32 $0x0;
	s7 =	srdreg.scid;
	s5 =	smul.u32 $0x2710, s1  }
0x7: {  	[smem:$0x7FF] =	sst s4;
	s25 =	sand.u32 $0x1, s7;
	s26 =	smul.u32 $0x2800, s1  }
0x8: {  	s30 =	sshll.u32 s1, $0x6;
	s7 =	simm.s32 $0x2;
	s6 =	sshrl.u32 s5, $0x3  }
0x9: {  	_ =	strace $0x80000047;
	s29 =	sadd.s32 s5, s2;
	s6 =	sadd.s32 s6, s24  }
0xa: {  	s8 =	sshrl.u32 s29, $0x3;
	s5 =	sadd.s32 $0x600, s6;
	s6 =	sor.u32 $0x1C02, s30  }
0xb: {  	[spmem:s8], [sflag:s6] =	dma.local [hbm:s5], $0x4E2  }
0xc: {  	s12 =	sshll.u32 s25, $0x4;
	s9 =	sshrl.u32 s26, $0x3;
	_ =	swait.ge [sflag:s7], $0x4E2  }
0xd: {  	s10 =	sadd.s32 s26, s3;
	s9 =	sadd.s32 s9, s24;
	[sflag:s7] =	ssyncset.done $0x0  }
0xe: {  	s10 =	sshrl.u32 s10, $0x3;
	s9 =	sadd.s32 $0xF600, s9;
	[sflag:s7] =	ssyncadd.s32 $0xFFFFFB1E  }
0xf: {  	[spmem:s10], [sflag:s6] =	dma.local [hbm:s9], $0x500  }
0x10: {  	s12 =	sor.u32 s1, s12;
	_ =	swait.ge [sflag:s7], $0x500  }
0x11: {  	s12 =	smul.u32 $0x500, s12;
	[sflag:s7] =	ssyncset.done $0x0  }
0x12: {  	[sflag:s7] =	ssyncadd.s32 $0xFFFFFB00  }
0x13: {  	s11 =	sadd.s32 s11, s12;
	[bflag:$0x0] =	sbarrier.arrive $0xFFFF  }
0x14: {  	[tilespmem:s4], [sflag:$0x2] =	stream.linear.gather [hbm4b:s11+s4], $0x2800, $0x38;
	[tilespmem:$0x11F10] =	vst v63  }
0x15: {  	_ =	swait.ge [sflag:s7], $0x2800  }
0x16: {  	s12 =	sadd.s32 s12, s24;
	[sflag:s7] =	ssyncset.done $0x0  }
0x17: {  	s13 =	simm.s32 $0x2800;
	s12 =	sadd.s32 $0x5600, s12;
	[sflag:s7] =	ssyncadd.s32 $0xFFFFD800  }
0x18: {  	[tilespmem:s13], [sflag:$0x2] =	stream.linear.gather [hbm4b:s12+s4], $0x2800, $0x38;
	[tilespmem:$0x11F10] =	vst v63  }
0x19: {  	_ =	swait.ge [sflag:s7], $0x2800  }
0x1a: {  	s14 =	simm.s32 $0x800;
	[sflag:s7] =	ssyncset.done $0x0  }
0x1b: {  	s15 =	simm.s32 $0x5000;
	s16 =	simm.s32 $0x1;
	[sflag:s7] =	ssyncadd.s32 $0xFFFFD800  }
0x1c: {  	[tilespmem:s15], [sflag:$0x1] =	stream.indirect.gather [spmem:s2], $0x10, s4, s14, $0xb8;
	[tilespmem:$0x11F10] =	vst v63  }
0x1d: {  	_ =	swait.ge [sflag:s16], $0x8000  }
0x1e: {  	[sflag:s16] =	ssyncset.done $0x0  }
0x1f: {  	[sflag:s16] =	ssyncadd.s32 $0xFFFF8000  }
0x20: {  	[spmem:s3] =	stream.indirect.scatter.add.f32 [tilespmem:s15], [sflag:$0x2], $0x10, s13, s14, $0xb8;
	[tilespmem:$0x11F10] =	vst v63  }
0x21: {  	_ =	swait.ge [sflag:s7], $0x8000  }
0x22: {  	[sflag:s7] =	ssyncset.done $0x0  }
0x23: {  	[sflag:s7] =	ssyncadd.s32 $0xFFFF8000  }
0x24: {  	[tilespmem:s15], [sflag:$0x1] =	stream.indirect.gather [spmem:s2], $0x10, s14, s14, $0xb8;
	[tilespmem:$0x11F10] =	vst v63  }
0x25: {  	_ =	swait.ge [sflag:s16], $0x8000  }
0x26: {  	[sflag:s16] =	ssyncset.done $0x0  }
0x27: {  	s17 =	simm.s32 $0x3000;
	[sflag:s16] =	ssyncadd.s32 $0xFFFF8000  }
0x28: {  	[spmem:s3] =	stream.indirect.scatter.add.f32 [tilespmem:s15], [sflag:$0x2], $0x10, s17, s14, $0xb8;
	[tilespmem:$0x11F10] =	vst v63  }
0x29: {  	_ =	swait.ge [sflag:s7], $0x8000  }
0x2a: {  	[sflag:s7] =	ssyncset.done $0x0  }
0x2b: {  	s18 =	simm.s32 $0x1000;
	[sflag:s7] =	ssyncadd.s32 $0xFFFF8000  }
0x2c: {  	[tilespmem:s15], [sflag:$0x1] =	stream.indirect.gather [spmem:s2], $0x10, s18, s14, $0xb8;
	[tilespmem:$0x11F10] =	vst v63  }
0x2d: {  	_ =	swait.ge [sflag:s16], $0x8000  }
0x2e: {  	[sflag:s16] =	ssyncset.done $0x0  }
0x2f: {  	s19 =	simm.s32 $0x3800;
	[sflag:s16] =	ssyncadd.s32 $0xFFFF8000  }
0x30: {  	[spmem:s3] =	stream.indirect.scatter.add.f32 [tilespmem:s15], [sflag:$0x2], $0x10, s19, s14, $0xb8;
	[tilespmem:$0x11F10] =	vst v63  }
0x31: {  	_ =	swait.ge [sflag:s7], $0x8000  }
0x32: {  	[sflag:s7] =	ssyncset.done $0x0  }
0x33: {  	s20 =	simm.s32 $0x1800;
	[sflag:s7] =	ssyncadd.s32 $0xFFFF8000  }
0x34: {  	[tilespmem:s15], [sflag:$0x1] =	stream.indirect.gather [spmem:s2], $0x10, s20, s14, $0xb8;
	[tilespmem:$0x11F10] =	vst v63  }
0x35: {  	_ =	swait.ge [sflag:s16], $0x8000  }
0x36: {  	[sflag:s16] =	ssyncset.done $0x0  }
0x37: {  	s21 =	simm.s32 $0x4000;
	[sflag:s16] =	ssyncadd.s32 $0xFFFF8000  }
0x38: {  	[spmem:s3] =	stream.indirect.scatter.add.f32 [tilespmem:s15], [sflag:$0x2], $0x10, s21, s14, $0xb8;
	[tilespmem:$0x11F10] =	vst v63  }
0x39: {  	_ =	swait.ge [sflag:s7], $0x8000  }
0x3a: {  	[sflag:s7] =	ssyncset.done $0x0  }
0x3b: {  	s22 =	simm.s32 $0x2000;
	[sflag:s7] =	ssyncadd.s32 $0xFFFF8000  }
0x3c: {  	[tilespmem:s15], [sflag:$0x1] =	stream.indirect.gather [spmem:s2], $0x10, s22, s14, $0xb8;
	[tilespmem:$0x11F10] =	vst v63  }
0x3d: {  	s28 =	smul.u32 $0x28000, s25;
	s25 =	ssub.s32 $0x2, s25;
	_ =	swait.ge [sflag:s16], $0x8000  }
0x3e: {  	s31 =	sshrl.u32 s25, $0x1;
	[sflag:s16] =	ssyncset.done $0x0  }
0x3f: {  	s23 =	simm.s32 $0x4800;
	s25 =	ssub.s32 s25, s31;
	[sflag:s16] =	ssyncadd.s32 $0xFFFF8000  }
0x40: {  	[spmem:s3] =	stream.indirect.scatter.add.f32 [tilespmem:s15], [sflag:$0x2], $0x10, s23, s14, $0xb8;
	[tilespmem:$0x11F10] =	vst v63  }
0x41: {  	s26 =	sadd.s32 s26, s28;
	s25 =	smax.u32 s25, $0x1;
	_ =	swait.ge [sflag:s7], $0x8000  }
0x42: {  	s26 =	sshrl.u32 s26, $0x3;
	p0 =	sne.s32 s25, $0x1;
	[sflag:s7] =	ssyncset.done $0x0  }
.Ltmp0:
0x43: {  	s24 =	sadd.s32 s26, s24;
	[sflag:s7] =	ssyncadd.s32 $0xFFFF8000;
	(pc) =	sbr.rel @!p0 .LBB2_2-.Ltmp0, $4  }
0x44: {  	s24 =	sadd.s32 $0x14600, s24;
	[bflag:$0x0] =	sbarrier.arrive $0xFFFF  }
0x45: {  	[hbm:s24], [sflag:s6] =	dma.local [spmem:s10], $0x500  }
0x46: {  	_ =	swait.ge [sflag:s7], $0x500  }
0x47: {  	s25 =	sadd.s32 $0xFFFFFFFF, s25;
	[sflag:s7] =	ssyncset.done $0x0  }
.LBB2_1:
0x48: {  	p0 =	sne.s32 s25, $0x1;
	s25 =	sadd.s32 $0xFFFFFFFF, s25;
	[sflag:s7] =	ssyncadd.s32 $0xFFFFFB00  }
0x49: {  	[spmem:s8], [sflag:s6] =	dma.local [hbm:s5], $0x4E2  }
0x4a: {  	_ =	swait.ge [sflag:s7], $0x4E2  }
0x4b: {  	[sflag:s7] =	ssyncset.done $0x0  }
0x4c: {  	[sflag:s7] =	ssyncadd.s32 $0xFFFFFB1E  }
0x4d: {  	[spmem:s10], [sflag:s6] =	dma.local [hbm:s9], $0x500  }
0x4e: {  	_ =	swait.ge [sflag:s7], $0x500  }
0x4f: {  	[sflag:s7] =	ssyncset.done $0x0  }
0x50: {  	[sflag:s7] =	ssyncadd.s32 $0xFFFFFB00  }
0x51: {  	[bflag:$0x0] =	sbarrier.arrive $0xFFFF  }
0x52: {  	[tilespmem:s4], [sflag:$0x2] =	stream.linear.gather [hbm4b:s11+s4], $0x2800, $0x38;
	[tilespmem:$0x11F10] =	vst v63  }
0x53: {  	_ =	swait.ge [sflag:s7], $0x2800  }
0x54: {  	[sflag:s7] =	ssyncset.done $0x0  }
0x55: {  	[sflag:s7] =	ssyncadd.s32 $0xFFFFD800  }
0x56: {  	[tilespmem:s13], [sflag:$0x2] =	stream.linear.gather [hbm4b:s12+s4], $0x2800, $0x38;
	[tilespmem:$0x11F10] =	vst v63  }
0x57: {  	_ =	swait.ge [sflag:s7], $0x2800  }
0x58: {  	[sflag:s7] =	ssyncset.done $0x0  }
0x59: {  	[sflag:s7] =	ssyncadd.s32 $0xFFFFD800  }
0x5a: {  	[tilespmem:s15], [sflag:$0x1] =	stream.indirect.gather [spmem:s2], $0x10, s4, s14, $0xb8;
	[tilespmem:$0x11F10] =	vst v63  }
0x5b: {  	_ =	swait.ge [sflag:s16], $0x8000  }
0x5c: {  	[sflag:s16] =	ssyncset.done $0x0  }
0x5d: {  	[sflag:s16] =	ssyncadd.s32 $0xFFFF8000  }
0x5e: {  	[spmem:s3] =	stream.indirect.scatter.add.f32 [tilespmem:s15], [sflag:$0x2], $0x10, s13, s14, $0xb8;
	[tilespmem:$0x11F10] =	vst v63  }
0x5f: {  	_ =	swait.ge [sflag:s7], $0x8000  }
0x60: {  	[sflag:s7] =	ssyncset.done $0x0  }
0x61: {  	[sflag:s7] =	ssyncadd.s32 $0xFFFF8000  }
0x62: {  	[tilespmem:s15], [sflag:$0x1] =	stream.indirect.gather [spmem:s2], $0x10, s14, s14, $0xb8;
	[tilespmem:$0x11F10] =	vst v63  }
0x63: {  	_ =	swait.ge [sflag:s16], $0x8000  }
0x64: {  	[sflag:s16] =	ssyncset.done $0x0  }
0x65: {  	[sflag:s16] =	ssyncadd.s32 $0xFFFF8000  }
0x66: {  	[spmem:s3] =	stream.indirect.scatter.add.f32 [tilespmem:s15], [sflag:$0x2], $0x10, s17, s14, $0xb8;
	[tilespmem:$0x11F10] =	vst v63  }
0x67: {  	_ =	swait.ge [sflag:s7], $0x8000  }
0x68: {  	[sflag:s7] =	ssyncset.done $0x0  }
0x69: {  	[sflag:s7] =	ssyncadd.s32 $0xFFFF8000  }
0x6a: {  	[tilespmem:s15], [sflag:$0x1] =	stream.indirect.gather [spmem:s2], $0x10, s18, s14, $0xb8;
	[tilespmem:$0x11F10] =	vst v63  }
0x6b: {  	_ =	swait.ge [sflag:s16], $0x8000  }
0x6c: {  	[sflag:s16] =	ssyncset.done $0x0  }
0x6d: {  	[sflag:s16] =	ssyncadd.s32 $0xFFFF8000  }
0x6e: {  	[spmem:s3] =	stream.indirect.scatter.add.f32 [tilespmem:s15], [sflag:$0x2], $0x10, s19, s14, $0xb8;
	[tilespmem:$0x11F10] =	vst v63  }
0x6f: {  	_ =	swait.ge [sflag:s7], $0x8000  }
0x70: {  	[sflag:s7] =	ssyncset.done $0x0  }
0x71: {  	[sflag:s7] =	ssyncadd.s32 $0xFFFF8000  }
0x72: {  	[tilespmem:s15], [sflag:$0x1] =	stream.indirect.gather [spmem:s2], $0x10, s20, s14, $0xb8;
	[tilespmem:$0x11F10] =	vst v63  }
0x73: {  	_ =	swait.ge [sflag:s16], $0x8000  }
0x74: {  	[sflag:s16] =	ssyncset.done $0x0  }
0x75: {  	[sflag:s16] =	ssyncadd.s32 $0xFFFF8000  }
0x76: {  	[spmem:s3] =	stream.indirect.scatter.add.f32 [tilespmem:s15], [sflag:$0x2], $0x10, s21, s14, $0xb8;
	[tilespmem:$0x11F10] =	vst v63  }
0x77: {  	_ =	swait.ge [sflag:s7], $0x8000  }
0x78: {  	[sflag:s7] =	ssyncset.done $0x0  }
0x79: {  	[sflag:s7] =	ssyncadd.s32 $0xFFFF8000  }
0x7a: {  	[tilespmem:s15], [sflag:$0x1] =	stream.indirect.gather [spmem:s2], $0x10, s22, s14, $0xb8;
	[tilespmem:$0x11F10] =	vst v63  }
0x7b: {  	_ =	swait.ge [sflag:s16], $0x8000  }
0x7c: {  	[sflag:s16] =	ssyncset.done $0x0  }
0x7d: {  	[sflag:s16] =	ssyncadd.s32 $0xFFFF8000  }
0x7e: {  	[spmem:s3] =	stream.indirect.scatter.add.f32 [tilespmem:s15], [sflag:$0x2], $0x10, s23, s14, $0xb8;
	[tilespmem:$0x11F10] =	vst v63  }
0x7f: {  	_ =	swait.ge [sflag:s7], $0x8000  }
0x80: {  	[sflag:s7] =	ssyncset.done $0x0  }
.Ltmp1:
0x81: {  	[sflag:s7] =	ssyncadd.s32 $0xFFFF8000;
	(pc) =	sbr.rel @p0 .LBB2_1-.Ltmp1, $4  }
0x82: {  	[bflag:$0x0] =	sbarrier.arrive $0xFFFF  }
0x83: {  	[hbm:s24], [sflag:s6] =	dma.local [spmem:s10], $0x500  }
0x84: {  	_ =	swait.ge [sflag:s7], $0x500  }
0x85: {  	[sflag:s7] =	ssyncset.done $0x0  }
.LBB2_2:
0x86: {  	[sflag:s7] =	ssyncadd.s32 $0xFFFFFB00  }
0x87: {  	_ =	sfence.sel $0x180000  }
0x88: {  	[bflag:$0x0] =	sbarrier.arrive $0xFFFF  }
0x89: {  	p0 =	sne.s32 s1, $0x0;
	_ =	strace $0x90000047  }
0x8a: {  	s0 =	sadd.s32 @!p0 $0x100000, s0;
	[bflag:$0x2] =	sbarrier.arrive $0xFFFF  }
0x8b: {  	[sflag:s0] =	ssyncadd.tile.s32 @!p0 $0x1;
	_ =	shalt  }
.Lfunc_end2:
_tile_overlayer_lowered:
.L_overlay_start_2:
0x8c: {  	(tag) =	ssettag $0x2  }
0x8d: {  	s0 =	rddreg [dreg:$0x0];
	s2 =	stileid.u32  }
0x8e: {  	s1 =	rddreg [dreg:$0x1];
	p0 =	sne.s32 s2, $0x0  }
0x8f: {  	s3 =	rddreg [dreg:$0x2];
	[bflag:$0x3] =	sbarrier.arrive $0xFFFF;
	s2 =	simm.s32 @!p0 $0x1C02  }
0x90: {  	[timem:s3], [sflag:s2] =	dma.local @!p0 [hbm:s0], s1  }
0x91: {  	s0 =	simm.s32 @!p0 $0x2  }
0x92: {  	_ =	swait.ge @!p0 [sflag:s0], s1  }
0x93: {  	s1 =	ssub.s32 @!p0 $0x0, s1;
	[sflag:s0] =	ssyncset.done @!p0 $0x0  }
0x94: {  	[sflag:s0] =	ssyncadd.s32 @!p0 s1  }
0x95: {  	[bflag:$0x3] =	sbarrier.arrive $0xFFFF  }
0x96: {  	_ =	shalt  }

// kernel: kernel.9.cloned.1.call-start
scs
__scs_entry_jumppad:
0x0: {  	(pc) =	sbr.rel $0x88, $3  }
0x1: {  	(tag) =	ssettag $0x0;
	lr =	simm.s32 $0x1  }
0x2: {  	[smem:$0x3F9B] =	sst lr;
	_ =	strace $0xD0000000  }
0x3: {  	_ = 	snop  }
0x4: {  	_ = 	snop  }
0x5: {  	_ = 	snop  }
0x6: {  	_ = 	snop  }
0x7: {  	_ = 	snop  }
__scs_overlays_trampoline_lowered:
0x8: {  	[smem:$0x3FAA] =	sst s0  }
0x9: {  	[smem:$0x3FAB] =	sst s1  }
0xa: {  	[smem:$0x3FAC] =	sst s2  }
0xb: {  	[smem:$0x3FAD] =	sst s3  }
0xc: {  	[smem:$0x3FAE] =	sst s4  }
0xd: {  	[smem:$0x3FAF] =	sst s5  }
0xe: {  	[smem:$0x3FB0] =	sst s6  }
0xf: {  	[smem:$0x3FB1] =	sst s7  }
0x10: {  	[smem:$0x3FB2] =	sst s8  }
0x11: {  	[smem:$0x3FB3] =	sst s9;
	s0 =	simm.s32 @!p0 $0x0  }
0x12: {  	s1 =	sld [smem:$0x3F99];
	s0 =	simm.s32 @p0 $0x1  }
0x13: {  	[smem:$0x3FB4] =	sst s0;
	s0 =	simm.s32 @!p1 $0x0  }
0x14: {  	s2 =	sld [smem:$0x3F98];
	s0 =	simm.s32 @p1 $0x1  }
0x15: {  	[smem:$0x3FB5] =	sst s0;
	s0 =	simm.s32 @!p2 $0x0  }
0x16: {  	s3 =	sld [smem:$0x3FDB];
	s0 =	simm.s32 @p2 $0x1  }
0x17: {  	s4 =	simm.s32 $0x1BF5;
	[smem:$0x3FB7] =	sst s0  }
0x18: {  	s0 =	sld [smem:$0x3F9A];
	_ =	swait.ge [sflag:s4], $0x0  }
0x19: {  	s7 =	sld [smem:$0x3F9B]  }
0x1a: {  	s8 =	sadd.s32 $0xFFFFE003, lr  }
0x1b: {  	s9 =	sadd.s32 $0xFFFFFEF7, lr;
	s5 =	simm.s32 $0xFFFFFFFF;
	p2 =	slt.u32 s8, $0xFFFFF086  }
0x1c: {  	p1 =	slt.u32 s9, $0xF7A;
	s5 =	simm.s32 @!p2 $0x0  }
0x1d: {  	s5 =	simm.s32 @p1 $0x1;
	p0 =	seq.s32 s7, s2  }
0x1e: {  	s7 =	smul.u32 @!p0 $0xF7A, s2;
	p2 =	seq.s32 @!p0 s5, $0x0  }
0x1f: {  	s9 =	smul.u32 $0xF7A, s1;
	s8 =	simm.s32 @!p0 $0x1BF5;
	p2 =	por !p2, p0  }
0x20: {  	[sflag:s8] =	ssyncset.s32 @!p0 $0xFFFFF086;
	s6 =	sadd.s32 @!p0 s3, s7;
	s7 =	simm.s32 @!p0 $0x108  }
0x21: {  	s3 =	sadd.s32 s3, s9;
	s6 =	sadd.s32 @!p0 $0x88, s6;
	s7 =	simm.s32 @p2 $0x1082  }
0x22: {  	[simem:s7], [sflag:s8] =	dma.local @!p0 [hbm:s6], $0xF7A  }
0x23: {  	s9 =	sor.u32 $0xD0000000, s2;
	s6 =	simm.s32 $0x108;
	_ =	swait.ge @!p0 [sflag:s8], $0x0  }
0x24: {  	s3 =	sadd.s32 $0x88, s3;
	s6 =	simm.s32 @!p1 $0x1082;
	[sflag:s4] =	ssyncset.s32 $0xFFFFF086  }
0x25: {  	[simem:s6], [sflag:s4] =	dma.local [hbm:s3], $0xF7A  }
0x26: {  	[smem:$0x3F9B] =	sst s1;
	(tag) =	ssettag s2;
	_ =	strace s9  }
0x27: {  	s1 =	sld [smem:$0x3FAB]  }
0x28: {  	s2 =	sld [smem:$0x3FAC]  }
0x29: {  	s4 =	sld [smem:$0x3FAE]  }
0x2a: {  	p0 =	seq.s32 s5, $0x0;
	s5 =	sld [smem:$0x3FAF]  }
0x2b: {  	s6 =	sld [smem:$0x3FB0]  }
0x2c: {  	s7 =	sld [smem:$0x3FB1]  }
0x2d: {  	s3 =	simm.s32 $0x108;
	s8 =	sld [smem:$0x3FB2]  }
0x2e: {  	s3 =	simm.s32 @!p0 $0x1082;
	s9 =	sld [smem:$0x3FB3]  }
0x2f: {  	lr =	sadd.s32 s0, s3;
	s0 =	sld [smem:$0x3FAA]  }
0x30: {  	s3 =	sld [smem:$0x3FAD]  }
0x31: {  	[smem:$0x3FB6] =	sst s10  }
0x32: {  	s10 =	sld [smem:$0x3FB4];
	_ =	sdelay $0x3  }
0x33: {  	p0 =	seq.s32 s10, $0x1;
	s10 =	sld [smem:$0x3FB6];
	_ =	sdelay $0x3  }
0x34: {  	[smem:$0x3FB6] =	sst s10  }
0x35: {  	s10 =	sld [smem:$0x3FB5];
	_ =	sdelay $0x3  }
0x36: {  	p1 =	seq.s32 s10, $0x1;
	s10 =	sld [smem:$0x3FB6];
	_ =	sdelay $0x3  }
0x37: {  	[smem:$0x3FB6] =	sst s10  }
0x38: {  	s10 =	sld [smem:$0x3FB7]  }
0x39: {  	_ = 	snop;
	(pc) =	sbr.ind lr, $3  }
0x3a: {  	_ = 	snop  }
0x3b: {  	_ = 	snop  }
0x3c: {  	p2 =	seq.s32 s10, $0x1;
	s10 =	sld [smem:$0x3FB6]  }
0x3d: {  	_ =	shalt  }
0x3e: {  	_ =	shalt  }
0x3f: {  	_ =	shalt  }
0x40: {  	_ =	shalt  }
0x41: {  	_ =	shalt  }
0x42: {  	_ =	shalt  }
0x43: {  	_ =	shalt  }
0x44: {  	_ =	shalt  }
0x45: {  	_ =	shalt  }
0x46: {  	_ =	shalt  }
0x47: {  	_ =	shalt  }
0x48: {  	_ =	shalt  }
0x49: {  	_ =	shalt  }
0x4a: {  	_ =	shalt  }
0x4b: {  	_ =	shalt  }
0x4c: {  	_ =	shalt  }
0x4d: {  	_ =	shalt  }
0x4e: {  	_ =	shalt  }
0x4f: {  	_ =	shalt  }
0x50: {  	_ =	shalt  }
0x51: {  	_ =	shalt  }
0x52: {  	_ =	shalt  }
0x53: {  	_ =	shalt  }
0x54: {  	_ =	shalt  }
0x55: {  	_ =	shalt  }
0x56: {  	_ =	shalt  }
0x57: {  	_ =	shalt  }
0x58: {  	_ =	shalt  }
0x59: {  	_ =	shalt  }
0x5a: {  	_ =	shalt  }
0x5b: {  	_ =	shalt  }
0x5c: {  	_ =	shalt  }
0x5d: {  	_ =	shalt  }
0x5e: {  	_ =	shalt  }
0x5f: {  	_ =	shalt  }
0x60: {  	_ =	shalt  }
0x61: {  	_ =	shalt  }
0x62: {  	_ =	shalt  }
0x63: {  	_ =	shalt  }
0x64: {  	_ =	shalt  }
0x65: {  	_ =	shalt  }
0x66: {  	_ =	shalt  }
0x67: {  	_ =	shalt  }
0x68: {  	_ =	shalt  }
0x69: {  	_ =	shalt  }
0x6a: {  	_ =	shalt  }
0x6b: {  	_ =	shalt  }
0x6c: {  	_ =	shalt  }
0x6d: {  	_ =	shalt  }
0x6e: {  	_ =	shalt  }
0x6f: {  	_ =	shalt  }
0x70: {  	_ =	shalt  }
0x71: {  	_ =	shalt  }
0x72: {  	_ =	shalt  }
0x73: {  	_ =	shalt  }
0x74: {  	_ =	shalt  }
0x75: {  	_ =	shalt  }
0x76: {  	_ =	shalt  }
0x77: {  	_ =	shalt  }
0x78: {  	_ =	shalt  }
0x79: {  	_ =	shalt  }
0x7a: {  	_ =	shalt  }
0x7b: {  	_ =	shalt  }
0x7c: {  	_ =	shalt  }
0x7d: {  	_ =	shalt  }
0x7e: {  	_ =	shalt  }
0x7f: {  	_ =	shalt  }
0x80: {  	_ =	shalt  }
0x81: {  	_ =	shalt  }
0x82: {  	_ =	shalt  }
0x83: {  	_ =	shalt  }
0x84: {  	_ =	shalt  }
0x85: {  	_ =	shalt  }
0x86: {  	_ =	shalt  }
0x87: {  	_ =	shalt  }
.Lfunc_end0:
.L_simem_size_0:
called_computation.1_lowered:
.L_overlay_start_0:
0x88: {  	s2 =	sld [smem:$0x3FD9]  }
0x89: {  	s3 =	sld [smem:$0x3FFE];
	_ =	sdelay $0x1  }
0x8a: {  	s1 =	srdreg.scid  }
0x8b: {  	s0 =	sand.u32 $0x1, s1  }
0x8c: {  	s17 =	sshll.u32 s0, $0xA;
	s2 =	sadd.s32 s3, s2  }
0x8d: {  	s2 =	sadd.s32 s2, s17  }
0x8e: {  	[smem:$0x3FC2] =	sst s2  }
0x8f: {  	_ = 	snop  }
0x90: {  	s2 =	sld [smem:$0x3FC6]  }
0x91: {  	s18 =	sld [smem:$0x3FD0];
	(tm) =	ssettm $0x1  }
0x92: {  	s4 =	sld [smem:$0x3FFB];
	_ =	sdelay $0x3  }
0x93: {  	_ =	strace s4  }
0x94: {  	s4 =	sld [smem:$0x3FFC];
	_ =	sdelay $0x3  }
0x95: {  	_ =	strace s4  }
0x96: {  	s4 =	sld [smem:$0x3FFD];
	_ =	sdelay $0x3  }
0x97: {  	_ =	strace s4  }
0x98: {  	_ =	strace $0x8FFFFFFF  }
0x99: {  	s19 =	sld [smem:$0x3FDB];
	_ =	sdelay $0x1  }
0x9a: {  	s5 =	simm.s32 $_scs_section_size  }
0x9b: {  	s6 =	simm.s32 $_size__tile_overlayer_lowered;
	s7 =	simm.s32 $_tile_overlayer_lowered  }
0x9c: {  	s22 =	simm.s32 $0x1BFF;
	s21 =	sshll.u32 s7, $0x1;
	s4 =	sadd.s32 s5, s19  }
0x9d: {  	s8 =	simm.s32 $0x0;
	s20 =	sshll.u32 s6, $0x1;
	s6 =	sadd.s32 s21, s4  }
0x9e: {  	[timem:s8], [sflag:s22] =	dma.local [hbm:s6], s20  }
0x9f: {  	_ =	swait.ge [sflag:s22], s20  }
0xa0: {  	s5 =	ssub.s32 $0x0, s20;
	[sflag:s22] =	ssyncset.done $0x0  }
0xa1: {  	[sflag:s22] =	ssyncadd.s32 s5;
	_ =	sdelay $0x1  }
0xa2: {  	s23 =	simm.s32 $0x1B8B  }
0xa3: {  	_ =	swait.ge [sflag:s23], $0x1  }
0xa4: {  	[sflag:s23] =	ssyncset.done $0x0  }
0xa5: {  	s25 =	simm.s32 $0x1B8E;
	s24 =	sld [smem:$0x3FFE];
	[sflag:s23] =	ssyncadd.s32 $0xFFFFFFFF  }
0xa6: {  	s26 =	simm.s32 $execute0_lowered;
	[smem:$0x3FD2] =	sst s25  }
0xa7: {  	s6 =	sshll.u32 s26, $0x1;
	_ =	strace $0x80000049;
	[dreg:$0x1] =	wrdreg $0xFFFFFFFF  }
0xa8: {  	s28 =	simm.s32 $_size_execute0_lowered;
	s4 =	sadd.s32 s4, s6;
	[dreg:$0x0] =	wrdreg $0x0  }
0xa9: {  	s6 =	sshll.u32 s28, $0x1;
	[dreg:$0x2] =	wrdreg s4  }
0xaa: {  	[dreg:$0x3] =	wrdreg s6  }
0xab: {  	[dreg:$0x4] =	wrdreg $0xC0  }
0xac: {  	_ =	task [dreg:s8], $0x5FFFF  }
0xad: {  	[dreg:$0x1] =	wrdreg $0xFFFFFFFF  }
0xae: {  	[dreg:$0x0] =	wrdreg $0x60  }
0xaf: {  	[dreg:$0x2] =	wrdreg s24  }
0xb0: {  	[dreg:$0x3] =	wrdreg s2  }
0xb1: {  	[dreg:$0x4] =	wrdreg s18  }
0xb2: {  	[dreg:$0x5] =	wrdreg $0x148100  }
0xb3: {  	[dreg:$0x6] =	wrdreg $0x120100  }
0xb4: {  	[dreg:$0x7] =	wrdreg $0x9  }
0xb5: {  	_ =	task.clear_ibuf [dreg:s8], $0x8FFFF;
	_ =	strace $0x90000049  }
0xb6: {  	s29 =	simm.s32 $0x9;
	_ =	strace $0x8000004B  }
0xb7: {  	_ =	swait.ge [sflag:s29], $0x1  }
0xb8: {  	[sflag:s29] =	ssyncadd.s32 $0xFFFFFFFF  }
0xb9: {  	_ =	strace $0x9000004B  }
0xba: {  	_ =	sfence  }
0xbb: {  	s30 =	sld [smem:$0x0];
	_ =	sdelay $0x2  }
0xbc: {  	s31 =	sshll.u32 s1, $0xD;
	s1 =	sshrl.u32 s1, $0x2  }
0xbd: {  	s3 =	sand.u32 $0x4000, s31;
	s1 =	sadd.s32 s1, s30  }
0xbe: {  	s0 =	sor.u32 s3, s0;
	s1 =	sshll.u32 s1, $0x11  }
0xbf: {  	s0 =	sor.u32 s1, s0  }
0xc0: {  	s0 =	sadd.s32 $0x8F2B, s0  }
0xc1: {  	[sflag:s0] =	ssyncadd.remote.s32 $0x1  }
0xc2: {  	_ =	sfence.sel $0xFFFF  }
0xc3: {  	[dreg:$0x0] =	wrdreg $0xFFFFFFFF;
	(pc) =	sbr.abs _section_cstart, $3  }
0xc4: {  	[dreg:$0x1] =	wrdreg $0xFFFFFFFF  }
0xc5: {  	_ =	task.clear_ibuf [dreg:s8], $0x2FFFF;
	_ =	strace $0x9FFFFFFF  }
0xc6: {  	(tm) =	ssettm $0x7FFFFFFF  }
0xc7: {  	_ =	shalt  }
tec
execute0_lowered:
.L_overlay_start_1:
0x0: {  	(tag) =	ssettag $0x1  }
0x1: {  	s0 =	rddreg [dreg:$0x0]  }
0x2: {  	s1 =	srdreg.scid;
	s2 =	rddreg [dreg:$0x2]  }
0x3: {  	s17 =	stileid.u32;
	s3 =	rddreg [dreg:$0x3]  }
0x4: {  	s14 =	simm.s32 $0xD000;
	s15 =	simm.s32 $0x2;
	s20 =	simm.s32 $0x2800  }
0x5: {  	s21 =	simm.s32 $0x800;
	s22 =	simm.s32 $0x5000;
	s23 =	simm.s32 $0x1  }
0x6: {  	s24 =	simm.s32 $0x3000;
	s28 =	simm.s32 $0x1800;
	s29 =	simm.s32 $0x4000  }
0x7: {  	s30 =	simm.s32 $0x2000;
	s31 =	simm.s32 $0x4800;
	s1 =	sand.u32 $0x1, s1  }
0x8: {  	s9 =	smul.u32 $0x2800, s17;
	s26 =	sshll.u32 s17, $0x6;
	s4 =	sshll.u32 s1, $0x4  }
0x9: {  	s6 =	smul.u32 $0x28000, s1;
	s1 =	ssub.s32 $0x2, s1;
	s18 =	sor.u32 $0x1C02, s26  }
0xa: {  	s26 =	simm.s32 $0x3800;
	s5 =	sor.u32 s17, s4;
	s4 =	rddreg [dreg:$0x4]  }
0xb: {  	s7 =	sshrl.u32 s9, $0x3;
	s25 =	sshrl.u32 s1, $0x1;
	s16 =	sadd.s32 s9, s3  }
0xc: {  	s10 =	smul.u32 $0x500, s5;
	s5 =	simm.s32 $0x0;
	s6 =	sadd.s32 s9, s6  }
0xd: {  	s8 =	sadd.s32 s7, s0;
	s1 =	ssub.s32 s1, s25;
	s9 =	sadd.s32 s9, s4  }
0xe: {  	s19 =	sshrl.u32 s16, $0x3;
	s25 =	simm.s32 $0x1000;
	[smem:$0x7FF] =	sst s5  }
0xf: {  	s6 =	sshrl.u32 s6, $0x3;
	s7 =	sadd.s32 $0x19600, s8;
	s13 =	smax.u32 s1, $0x1  }
0x10: {  	_ =	strace $0x8000004A;
	s11 =	sadd.s32 s10, s0;
	s0 =	sadd.s32 s6, s0  }
0x11: {  	s6 =	sadd.s32 $0x14600, s8;
	s8 =	sadd.s32 $0xF600, s8;
	s10 =	sadd.s32 s2, s10  }
0x12: {  	s2 =	simm.s32 $0x0;
	s11 =	sadd.s32 $0x5600, s11;
	s12 =	sadd.s32 $0x1E600, s0  }
.LBB2_1:
0x13: {  	[tilespmem:s14], [sflag:$0x2] =	stream.linear.gather [hbm4b:s6+s5], $0x2800, $0x38;
	[tilespmem:$0x17010] =	vst v63  }
0x14: {  	_ =	swait.ge [sflag:s15], $0x2800  }
0x15: {  	[sflag:s15] =	ssyncset.done $0x0  }
0x16: {  	s0 =	simm.s32 $0xF800;
	[sflag:s15] =	ssyncadd.s32 $0xFFFFD800  }
0x17: {  	[tilespmem:s0], [sflag:$0x2] =	stream.linear.gather [hbm4b:s7+s5], $0x2800, $0x38;
	[tilespmem:$0x17010] =	vst v63  }
0x18: {  	_ =	swait.ge [sflag:s15], $0x2800  }
0x19: {  	[sflag:s15] =	ssyncset.done $0x0  }
0x1a: {  	[sflag:s15] =	ssyncadd.s32 $0xFFFFD800  }
0x1b: {  	s1 =	simm.s32 $0x12000;
	s17 =	rddreg [dreg:$0x1]  }
0x1c: {  	[tilespmem:s1], [sflag:$0x2] =	stream.linear.gather [hbm4b:s17+s5], $0x10, $0x38;
	[tilespmem:$0x17010] =	vst v63  }
0x1d: {  	_ =	swait.ge [sflag:s15], $0x10  }
0x1e: {  	[sflag:s15] =	ssyncset.done $0x0  }
0x1f: {  	[sflag:s15] =	ssyncadd.s32 $0xFFFFFFF0  }
0x20: {  	[spmem:s19], [sflag:s18] =	dma.local [hbm:s8], $0x500  }
0x21: {  	_ =	swait.ge [sflag:s15], $0x500  }
0x22: {  	[sflag:s15] =	ssyncset.done $0x0  }
0x23: {  	s0 =	simm.s32 $0xD040;
	[sflag:s15] =	ssyncadd.s32 $0xFFFFFB00  }
0x24: {  	s1 =	simm.s32 $0xF840;
	v1 =	vld [tilespmem:s0+$0xFFFFFFC0]  }
0x25: {  	v2 =	vld [tilespmem:s1+$0xFFFFFFC0];
	_ =	sdelay $0x1  }
0x26: {  	v0 =	vld [tilespmem:$0x12000];
	_ =	sdelay $0x2  }
0x27: {  	v1 =	vadd.f32 v2, v1;
	_ =	sdelay $0x1  }
0x28: {  	v1 =	vadd.f32 v1, v0;
	_ =	sdelay $0x1  }
0x29: {  	v1 =	vmax.f32 v1, $0.0e+00  }
0x2a: {  	[tilespmem:s0+$0xFFFFFFC0] =	vst v1;
	v1 =	vld [tilespmem:s0+$0xFFFFFFD0]  }
0x2b: {  	v2 =	vld [tilespmem:s1+$0xFFFFFFD0];
	_ =	sdelay $0x4  }
0x2c: {  	v1 =	vadd.f32 v2, v1;
	_ =	sdelay $0x1  }
0x2d: {  	v1 =	vadd.f32 v1, v0;
	_ =	sdelay $0x1  }
0x2e: {  	v1 =	vmax.f32 v1, $0.0e+00  }
0x2f: {  	[tilespmem:s0+$0xFFFFFFD0] =	vst v1;
	v1 =	vld [tilespmem:s0+$0xFFFFFFE0]  }
0x30: {  	v2 =	vld [tilespmem:s1+$0xFFFFFFE0];
	_ =	sdelay $0x4  }
0x31: {  	v1 =	vadd.f32 v2, v1;
	_ =	sdelay $0x1  }
0x32: {  	v1 =	vadd.f32 v1, v0;
	_ =	sdelay $0x1  }
0x33: {  	v1 =	vmax.f32 v1, $0.0e+00  }
0x34: {  	[tilespmem:s0+$0xFFFFFFE0] =	vst v1;
	v1 =	vld [tilespmem:s0+$0xFFFFFFF0]  }
0x35: {  	v2 =	vld [tilespmem:s1+$0xFFFFFFF0];
	_ =	sdelay $0x4  }
0x36: {  	v1 =	vadd.f32 v2, v1;
	_ =	sdelay $0x1  }
0x37: {  	v1 =	vadd.f32 v1, v0;
	_ =	sdelay $0x1  }
0x38: {  	v1 =	vmax.f32 v1, $0.0e+00  }
0x39: {  	[tilespmem:s0+$0xFFFFFFF0] =	vst v1;
	v1 =	vld [tilespmem:s0+$0x0]  }
0x3a: {  	v2 =	vld [tilespmem:s1+$0x0];
	_ =	sdelay $0x4  }
0x3b: {  	v1 =	vadd.f32 v2, v1;
	_ =	sdelay $0x1  }
0x3c: {  	v1 =	vadd.f32 v1, v0;
	_ =	sdelay $0x1  }
0x3d: {  	v1 =	vmax.f32 v1, $0.0e+00  }
0x3e: {  	[tilespmem:s0+$0x0] =	vst v1;
	v1 =	vld [tilespmem:s0+$0x10]  }
0x3f: {  	v2 =	vld [tilespmem:s1+$0x10];
	_ =	sdelay $0x4  }
0x40: {  	v1 =	vadd.f32 v2, v1;
	_ =	sdelay $0x1  }
0x41: {  	v1 =	vadd.f32 v1, v0;
	_ =	sdelay $0x1  }
0x42: {  	v1 =	vmax.f32 v1, $0.0e+00  }
0x43: {  	[tilespmem:s0+$0x10] =	vst v1;
	v1 =	vld [tilespmem:s0+$0x20]  }
0x44: {  	v2 =	vld [tilespmem:s1+$0x20];
	_ =	sdelay $0x4  }
0x45: {  	v1 =	vadd.f32 v2, v1;
	_ =	sdelay $0x1  }
0x46: {  	v1 =	vadd.f32 v1, v0;
	_ =	sdelay $0x1  }
0x47: {  	v1 =	vmax.f32 v1, $0.0e+00  }
0x48: {  	[tilespmem:s0+$0x20] =	vst v1;
	v1 =	vld [tilespmem:s0+$0x30]  }
0x49: {  	v2 =	vld [tilespmem:s1+$0x30];
	_ =	sdelay $0x4  }
0x4a: {  	v1 =	vadd.f32 v2, v1;
	_ =	sdelay $0x1  }
0x4b: {  	v1 =	vadd.f32 v1, v0;
	_ =	sdelay $0x1  }
0x4c: {  	s16 =	simm.s32 $0x0;
	s17 =	simm.s32 $0xD0C0;
	v1 =	vmax.f32 v1, $0.0e+00  }
.LBB2_2:
0x4d: {  	v2 =	vld [tilespmem:s17+$0xFFFFFFC0];
	[tilespmem:s0+$0x30] =	vst v1;
	s1 =	sadd.s32 $0x80, s1;
	s0 =	smov.u32 s17  }
0x4e: {  	s16 =	sadd.s32 $0x8, s16;
	v1 =	vld [tilespmem:s1+$0xFFFFFFC0]  }
0x4f: {  	p0 =	slt.u32 s16, $0x278;
	_ =	sdelay $0x3  }
0x50: {  	v1 =	vadd.f32 v1, v2;
	_ =	sdelay $0x1  }
0x51: {  	v1 =	vadd.f32 v1, v0;
	_ =	sdelay $0x1  }
0x52: {  	v1 =	vmax.f32 v1, $0.0e+00  }
0x53: {  	[tilespmem:s17+$0xFFFFFFC0] =	vst v1;
	v1 =	vld [tilespmem:s17+$0xFFFFFFD0]  }
0x54: {  	v2 =	vld [tilespmem:s1+$0xFFFFFFD0];
	_ =	sdelay $0x4  }
0x55: {  	v1 =	vadd.f32 v2, v1;
	_ =	sdelay $0x1  }
0x56: {  	v1 =	vadd.f32 v1, v0;
	_ =	sdelay $0x1  }
0x57: {  	v1 =	vmax.f32 v1, $0.0e+00  }
0x58: {  	[tilespmem:s17+$0xFFFFFFD0] =	vst v1;
	v1 =	vld [tilespmem:s17+$0xFFFFFFE0]  }
0x59: {  	v2 =	vld [tilespmem:s1+$0xFFFFFFE0];
	_ =	sdelay $0x4  }
0x5a: {  	v1 =	vadd.f32 v2, v1;
	_ =	sdelay $0x1  }
0x5b: {  	v1 =	vadd.f32 v1, v0;
	_ =	sdelay $0x1  }
0x5c: {  	v1 =	vmax.f32 v1, $0.0e+00  }
0x5d: {  	[tilespmem:s17+$0xFFFFFFE0] =	vst v1;
	v1 =	vld [tilespmem:s17+$0xFFFFFFF0]  }
0x5e: {  	v2 =	vld [tilespmem:s1+$0xFFFFFFF0];
	_ =	sdelay $0x4  }
0x5f: {  	v1 =	vadd.f32 v2, v1;
	_ =	sdelay $0x1  }
0x60: {  	v1 =	vadd.f32 v1, v0;
	_ =	sdelay $0x1  }
0x61: {  	v1 =	vmax.f32 v1, $0.0e+00  }
0x62: {  	[tilespmem:s17+$0xFFFFFFF0] =	vst v1;
	v1 =	vld [tilespmem:s17+$0x0]  }
0x63: {  	v2 =	vld [tilespmem:s1+$0x0];
	_ =	sdelay $0x4  }
0x64: {  	v1 =	vadd.f32 v2, v1;
	_ =	sdelay $0x1  }
0x65: {  	v1 =	vadd.f32 v1, v0;
	_ =	sdelay $0x1  }
0x66: {  	v1 =	vmax.f32 v1, $0.0e+00  }
0x67: {  	[tilespmem:s17+$0x0] =	vst v1;
	v1 =	vld [tilespmem:s17+$0x10]  }
0x68: {  	v2 =	vld [tilespmem:s1+$0x10];
	_ =	sdelay $0x4  }
0x69: {  	v1 =	vadd.f32 v2, v1;
	_ =	sdelay $0x1  }
0x6a: {  	v1 =	vadd.f32 v1, v0;
	_ =	sdelay $0x1  }
0x6b: {  	v1 =	vmax.f32 v1, $0.0e+00  }
0x6c: {  	[tilespmem:s17+$0x10] =	vst v1;
	v1 =	vld [tilespmem:s17+$0x20]  }
0x6d: {  	v2 =	vld [tilespmem:s1+$0x20];
	_ =	sdelay $0x4  }
0x6e: {  	v1 =	vadd.f32 v2, v1;
	_ =	sdelay $0x1  }
0x6f: {  	v1 =	vadd.f32 v1, v0;
	_ =	sdelay $0x1  }
0x70: {  	v1 =	vmax.f32 v1, $0.0e+00  }
0x71: {  	[tilespmem:s17+$0x20] =	vst v1;
	v1 =	vld [tilespmem:s17+$0x30]  }
0x72: {  	v2 =	vld [tilespmem:s1+$0x30];
	_ =	sdelay $0x4  }
.Ltmp0:
0x73: {  	v1 =	vadd.f32 v2, v1;
	(pc) =	sbr.rel @p0 .LBB2_2-.Ltmp0, $3  }
0x74: {  	_ = 	snop  }
0x75: {  	v1 =	vadd.f32 v1, v0;
	_ =	sdelay $0x1  }
0x76: {  	s17 =	sadd.s32 $0x80, s17;
	v1 =	vmax.f32 v1, $0.0e+00  }
0x77: {  	[tilespmem:s0+$0x30] =	vst v1  }
0x78: {  	[spmem:s9] =	stream.linear.scatter [tilespmem:s14], [sflag:$0x2], $0x2800, $0x38;
	[tilespmem:$0x17010] =	vst v63  }
0x79: {  	_ =	swait.ge [sflag:s15], $0x2800  }
0x7a: {  	[sflag:s15] =	ssyncset.done $0x0  }
0x7b: {  	[sflag:s15] =	ssyncadd.s32 $0xFFFFD800  }
0x7c: {  	[bflag:$0x0] =	sbarrier.arrive $0xFFFF  }
0x7d: {  	[tilespmem:s5], [sflag:$0x2] =	stream.linear.gather [hbm4b:s10+s5], $0x2800, $0x38;
	[tilespmem:$0x17010] =	vst v63  }
0x7e: {  	_ =	swait.ge [sflag:s15], $0x2800  }
0x7f: {  	[sflag:s15] =	ssyncset.done $0x0  }
0x80: {  	[sflag:s15] =	ssyncadd.s32 $0xFFFFD800  }
0x81: {  	[tilespmem:s20], [sflag:$0x2] =	stream.linear.gather [hbm4b:s11+s5], $0x2800, $0x38;
	[tilespmem:$0x17010] =	vst v63  }
0x82: {  	_ =	swait.ge [sflag:s15], $0x2800  }
0x83: {  	[sflag:s15] =	ssyncset.done $0x0  }
0x84: {  	[sflag:s15] =	ssyncadd.s32 $0xFFFFD800  }
0x85: {  	[tilespmem:s22], [sflag:$0x1] =	stream.indirect.gather [spmem:s4], $0x10, s5, s21, $0xb8;
	[tilespmem:$0x17010] =	vst v63  }
0x86: {  	_ =	swait.ge [sflag:s23], $0x8000  }
0x87: {  	[sflag:s23] =	ssyncset.done $0x0  }
0x88: {  	[sflag:s23] =	ssyncadd.s32 $0xFFFF8000  }
0x89: {  	[spmem:s3] =	stream.indirect.scatter.add.f32 [tilespmem:s22], [sflag:$0x2], $0x10, s20, s21, $0xb8;
	[tilespmem:$0x17010] =	vst v63  }
0x8a: {  	_ =	swait.ge [sflag:s15], $0x8000  }
0x8b: {  	[sflag:s15] =	ssyncset.done $0x0  }
0x8c: {  	[sflag:s15] =	ssyncadd.s32 $0xFFFF8000  }
0x8d: {  	[tilespmem:s22], [sflag:$0x1] =	stream.indirect.gather [spmem:s4], $0x10, s21, s21, $0xb8;
	[tilespmem:$0x17010] =	vst v63  }
0x8e: {  	_ =	swait.ge [sflag:s23], $0x8000  }
0x8f: {  	[sflag:s23] =	ssyncset.done $0x0  }
0x90: {  	[sflag:s23] =	ssyncadd.s32 $0xFFFF8000  }
0x91: {  	[spmem:s3] =	stream.indirect.scatter.add.f32 [tilespmem:s22], [sflag:$0x2], $0x10, s24, s21, $0xb8;
	[tilespmem:$0x17010] =	vst v63  }
0x92: {  	_ =	swait.ge [sflag:s15], $0x8000  }
0x93: {  	[sflag:s15] =	ssyncset.done $0x0  }
0x94: {  	[sflag:s15] =	ssyncadd.s32 $0xFFFF8000  }
0x95: {  	[tilespmem:s22], [sflag:$0x1] =	stream.indirect.gather [spmem:s4], $0x10, s25, s21, $0xb8;
	[tilespmem:$0x17010] =	vst v63  }
0x96: {  	_ =	swait.ge [sflag:s23], $0x8000  }
0x97: {  	[sflag:s23] =	ssyncset.done $0x0  }
0x98: {  	[sflag:s23] =	ssyncadd.s32 $0xFFFF8000  }
0x99: {  	[spmem:s3] =	stream.indirect.scatter.add.f32 [tilespmem:s22], [sflag:$0x2], $0x10, s26, s21, $0xb8;
	[tilespmem:$0x17010] =	vst v63  }
0x9a: {  	_ =	swait.ge [sflag:s15], $0x8000  }
0x9b: {  	[sflag:s15] =	ssyncset.done $0x0  }
0x9c: {  	[sflag:s15] =	ssyncadd.s32 $0xFFFF8000  }
0x9d: {  	[tilespmem:s22], [sflag:$0x1] =	stream.indirect.gather [spmem:s4], $0x10, s28, s21, $0xb8;
	[tilespmem:$0x17010] =	vst v63  }
0x9e: {  	_ =	swait.ge [sflag:s23], $0x8000  }
0x9f: {  	[sflag:s23] =	ssyncset.done $0x0  }
0xa0: {  	[sflag:s23] =	ssyncadd.s32 $0xFFFF8000  }
0xa1: {  	[spmem:s3] =	stream.indirect.scatter.add.f32 [tilespmem:s22], [sflag:$0x2], $0x10, s29, s21, $0xb8;
	[tilespmem:$0x17010] =	vst v63  }
0xa2: {  	_ =	swait.ge [sflag:s15], $0x8000  }
0xa3: {  	[sflag:s15] =	ssyncset.done $0x0  }
0xa4: {  	[sflag:s15] =	ssyncadd.s32 $0xFFFF8000  }
0xa5: {  	[tilespmem:s22], [sflag:$0x1] =	stream.indirect.gather [spmem:s4], $0x10, s30, s21, $0xb8;
	[tilespmem:$0x17010] =	vst v63  }
0xa6: {  	_ =	swait.ge [sflag:s23], $0x8000  }
0xa7: {  	[sflag:s23] =	ssyncset.done $0x0  }
0xa8: {  	[sflag:s23] =	ssyncadd.s32 $0xFFFF8000  }
0xa9: {  	[spmem:s3] =	stream.indirect.scatter.add.f32 [tilespmem:s22], [sflag:$0x2], $0x10, s31, s21, $0xb8;
	[tilespmem:$0x17010] =	vst v63  }
0xaa: {  	_ =	swait.ge [sflag:s15], $0x8000  }
0xab: {  	s2 =	sadd.s32 $0x1, s2;
	[sflag:s15] =	ssyncset.done $0x0  }
0xac: {  	p0 =	sne.s32 s2, s13;
	[sflag:s15] =	ssyncadd.s32 $0xFFFF8000  }
.Ltmp1:
0xad: {  	[bflag:$0x0] =	sbarrier.arrive $0xFFFF;
	(pc) =	sbr.rel @p0 .LBB2_1-.Ltmp1, $4  }
0xae: {  	[hbm:s12], [sflag:s18] =	dma.local [spmem:s19], $0x500  }
0xaf: {  	_ =	swait.ge [sflag:s15], $0x500  }
0xb0: {  	[sflag:s15] =	ssyncset.done $0x0  }
0xb1: {  	[sflag:s15] =	ssyncadd.s32 $0xFFFFFB00  }
0xb2: {  	_ =	sfence.sel $0x180000  }
0xb3: {  	[bflag:$0x0] =	sbarrier.arrive $0xFFFF  }
0xb4: {  	_ =	strace $0x9000004A  }
0xb5: {  	s0 =	stileid.u32;
	[bflag:$0x2] =	sbarrier.arrive $0xFFFF  }
0xb6: {  	p0 =	sne.s32 s0, $0x0;
	s0 =	rddreg [dreg:$0x5]  }
0xb7: {  	s0 =	sadd.s32 @!p0 $0x100000, s0  }
0xb8: {  	[sflag:s0] =	ssyncadd.tile.s32 @!p0 $0x1;
	_ =	shalt  }
.Lfunc_end2:
_tile_overlayer_lowered:
.L_overlay_start_2:
0xb9: {  	(tag) =	ssettag $0x2  }
0xba: {  	s0 =	rddreg [dreg:$0x0];
	s2 =	stileid.u32  }
0xbb: {  	s1 =	rddreg [dreg:$0x1];
	p0 =	sne.s32 s2, $0x0  }
0xbc: {  	s3 =	rddreg [dreg:$0x2];
	[bflag:$0x3] =	sbarrier.arrive $0xFFFF;
	s2 =	simm.s32 @!p0 $0x1C02  }
0xbd: {  	[timem:s3], [sflag:s2] =	dma.local @!p0 [hbm:s0], s1  }
0xbe: {  	s0 =	simm.s32 @!p0 $0x2  }
0xbf: {  	_ =	swait.ge @!p0 [sflag:s0], s1  }
0xc0: {  	s1 =	ssub.s32 @!p0 $0x0, s1;
	[sflag:s0] =	ssyncset.done @!p0 $0x0  }
0xc1: {  	[sflag:s0] =	ssyncadd.s32 @!p0 s1  }
0xc2: {  	[bflag:$0x3] =	sbarrier.arrive $0xFFFF  }
0xc3: {  	_ =	shalt  }

</sc_bundles>
